<compile_context>
chip_gen: v7x
topology: tpu7x:2x2x1
jax: 0.10.2.dev20260603
libtpu: 0.0.44.dev20260713+nightly
codegen_flags: <defaults>
</compile_context>

<pallas_src>
import functools

import jax
import jax.numpy as jnp
from jax import lax
from jax.experimental import pallas as pl
from jax.experimental.pallas import tpu as pltpu
from jax.experimental.pallas import tpu_sc as plsc

IDXW = 128
CM = 1
NBUF = 6
AHEAD = 2


@functools.lru_cache(maxsize=None)
def _build_gather(B, V, D):
    info = plsc.get_sparse_core_info()
    NC, NS = info.num_cores, info.num_subcores
    NW = NC * NS
    chunk = IDXW * CM
    assert B % (NW * chunk) == 0
    b_per_w = B // NW
    n = b_per_w // chunk
    r = n % NBUF
    assert 1 <= AHEAD <= min(r, NBUF) and n > NBUF + r
    mesh = plsc.VectorSubcoreMesh(core_axis_name="c", subcore_axis_name="s")

    @functools.partial(
        pl.kernel,
        mesh=mesh,
        out_type=jax.ShapeDtypeStruct((B, D), jnp.float32),
        scratch_types=[
            pltpu.VMEM((n * CM, IDXW), jnp.int32),
        ]
        + [pltpu.VMEM((chunk, D), jnp.float32)] * NBUF
        + [pltpu.SemaphoreType.DMA] * (2 * NBUF),
    )
    def gather_kernel(idx_hbm, table_hbm, out_hbm, idx_v, *bufs_sems):
        bufs = bufs_sems[:NBUF]
        gsem = bufs_sems[NBUF : 2 * NBUF]
        osem = bufs_sems[2 * NBUF :]
        wid = lax.axis_index("s") * NC + lax.axis_index("c")
        base = wid * b_per_w
        pltpu.sync_copy(idx_hbm.at[wid], idx_v)

        def g_copies(j, b):
            return [
                pltpu.make_async_copy(
                    table_hbm.at[idx_v.at[j * CM + m]],
                    bufs[b].at[pl.ds(m * IDXW, IDXW)],
                    gsem[b],
                )
                for m in range(CM)
            ]

        def start_g(j, b):
            for m in range(CM):
                pltpu.async_copy(
                    table_hbm.at[idx_v.at[j * CM + m]],
                    bufs[b].at[pl.ds(m * IDXW, IDXW)],
                    gsem[b],
                )

        def wait_g(j, b):
            for c in g_copies(j, b):
                c.wait()

        def o_copy(j, b):
            return pltpu.make_async_copy(
                bufs[b], out_hbm.at[pl.ds(base + j * chunk, chunk)], osem[b]
            )

        for j in range(AHEAD):
            start_g(j, j % NBUF)

        def flat_iter(i, b, do_issue, issue_owait):
            if do_issue:
                j = i + AHEAD
                bj = (b + AHEAD) % NBUF
                if issue_owait:
                    o_copy(j - NBUF, bj).wait()
                start_g(j, bj)
            wait_g(i, b)
            pltpu.async_copy(
                bufs[b], out_hbm.at[pl.ds(base + i * chunk, chunk)], osem[b]
            )

        for i in range(NBUF):
            j = i + AHEAD
            flat_iter(i, i % NBUF, j < n, j >= NBUF)

        def body(g, _):
            for b in range(NBUF):
                i = g * NBUF + b
                flat_iter(i, b, True, True)
            return 0

        lax.fori_loop(1, n // NBUF, body, 0)

        for i in range(n - r, n):
            j = i + AHEAD
            flat_iter(i, i % NBUF, j < n, j >= NBUF)

        for k in range(n - NBUF, n):
            o_copy(k, k % NBUF).wait()

    return gather_kernel


def kernel(input_ids, embedding_table):
    lead_shape = input_ids.shape
    idx = input_ids.reshape(-1).astype(jnp.int32)
    B = idx.shape[0]
    V, D = embedding_table.shape
    info = plsc.get_sparse_core_info()
    NW = info.num_cores * info.num_subcores
    idx3 = idx.reshape(NW, B // (NW * IDXW), IDXW)
    out = _build_gather(B, V, D)(idx3, embedding_table)
    return out.reshape(*lead_shape, D)

# --- scband reference (transcript-rebuilt; emitter-appended) ---
"""Pipeline reference for scband-prompt-encoder-67808943669894 (READ-ONLY COPY).

The authoritative reference and input builder live on the scoring server;
editing this copy changes nothing except your own understanding.
"""

import jax, jax.numpy as jnp
import numpy as np

VOCAB_SIZE = 100000
EMBED_DIM = 128


def setup_inputs(seed: int = 0) -> dict:
    key = jax.random.key(seed)
    k1, k2 = jax.random.split(key)
    input_ids = jax.random.randint(k1, (1024, 200), 0, VOCAB_SIZE, dtype=jnp.int64 if jax.config.jax_enable_x64 else jnp.int32)
    embedding_table = jax.random.normal(k2, (VOCAB_SIZE, EMBED_DIM), dtype=jnp.float32)
    return {"input_ids": input_ids, "embedding_table": embedding_table}


def reference(input_ids, embedding_table):
    # nn.Embedding forward: gather rows of the table by index
    return jnp.take(embedding_table, input_ids, axis=0)

if __name__ == "__main__":
    import jax
    _d = setup_inputs()
    print(jax.jit(kernel)(*tuple(_d.values())))

</pallas_src>

<mosaic_0001>
#map = affine_map<(d0, d1) -> (0, 0, 0)>
#map1 = affine_map<(d0, d1) -> (0, 0)>
module attributes {stable_mosaic.version = 14 : i64} {
  func.func @gather_kernel(%arg0: i32, %arg1: i32, %arg2: memref<32x50x128xi32, #tpu.memory_space<hbm>>, %arg3: memref<100000x128xf32, #tpu.memory_space<hbm>>, %arg4: memref<204800x128xf32, #tpu.memory_space<hbm>>, %arg5: memref<50x128xi32, #tpu.memory_space<vmem>>, %arg6: memref<128x128xf32, #tpu.memory_space<vmem>>, %arg7: memref<128x128xf32, #tpu.memory_space<vmem>>, %arg8: memref<128x128xf32, #tpu.memory_space<vmem>>, %arg9: memref<128x128xf32, #tpu.memory_space<vmem>>, %arg10: memref<128x128xf32, #tpu.memory_space<vmem>>, %arg11: memref<128x128xf32, #tpu.memory_space<vmem>>, %arg12: memref<!tpu.dma_semaphore, #tpu.memory_space<semaphore_mem>>, %arg13: memref<!tpu.dma_semaphore, #tpu.memory_space<semaphore_mem>>, %arg14: memref<!tpu.dma_semaphore, #tpu.memory_space<semaphore_mem>>, %arg15: memref<!tpu.dma_semaphore, #tpu.memory_space<semaphore_mem>>, %arg16: memref<!tpu.dma_semaphore, #tpu.memory_space<semaphore_mem>>, %arg17: memref<!tpu.dma_semaphore, #tpu.memory_space<semaphore_mem>>, %arg18: memref<!tpu.dma_semaphore, #tpu.memory_space<semaphore_mem>>, %arg19: memref<!tpu.dma_semaphore, #tpu.memory_space<semaphore_mem>>, %arg20: memref<!tpu.dma_semaphore, #tpu.memory_space<semaphore_mem>>, %arg21: memref<!tpu.dma_semaphore, #tpu.memory_space<semaphore_mem>>, %arg22: memref<!tpu.dma_semaphore, #tpu.memory_space<semaphore_mem>>, %arg23: memref<!tpu.dma_semaphore, #tpu.memory_space<semaphore_mem>>) attributes {dimension_semantics = [#tpu.dimension_semantics<core_parallel>, #tpu.dimension_semantics<subcore_parallel>], iteration_bounds = array<i64: 2, 16>, scalar_prefetch = 0 : i64, scratch_operands = 19 : i64, tpu.core_type = #tpu.core_type<sc_vector_subcore>, window_params = [{transform_indices = #map}, {transform_indices = #map1}, {transform_indices = #map1}]} {
    %mul3A = arith.constant 2 : i32
    %mul3A_0 = arith.muli %arg1, %mul3A : i32
    %add3A = arith.addi %mul3A_0, %arg0 : i32
    %mul3A_1 = arith.constant 6400 : i32
    %mul3A_2 = arith.muli %add3A, %mul3A_1 : i32
    "tpu.region"() ({
      %run_scoped3A = tpu.sem_alloc : memref<!tpu.dma_semaphore, #tpu.memory_space<semaphore_mem>>
      %dma_start3A_263 = arith.constant 0 : i32
      %dma_start3A_264 = arith.constant 0 : i32
      %dma_start3A_265 = tpu.memref_slice %arg2[%add3A, %dma_start3A_263, %dma_start3A_264] : memref<32x50x128xi32, #tpu.memory_space<hbm>> -> memref<1x50x128xi32, #tpu.memory_space<hbm>>
      %dma_start3A_266 = tpu.memref_squeeze %dma_start3A_265 : memref<1x50x128xi32, #tpu.memory_space<hbm>> -> memref<50x128xi32, #tpu.memory_space<hbm>>
      %dma_start3A_267 = arith.constant 0 : i32
      %dma_start3A_268 = arith.constant 0 : i32
      %dma_start3A_269 = tpu.memref_slice %arg2[%add3A, %dma_start3A_267, %dma_start3A_268] : memref<32x50x128xi32, #tpu.memory_space<hbm>> -> memref<1x50x128xi32, #tpu.memory_space<hbm>>
      %dma_start3A_270 = tpu.memref_squeeze %dma_start3A_269 : memref<1x50x128xi32, #tpu.memory_space<hbm>> -> memref<50x128xi32, #tpu.memory_space<hbm>>
      tpu.enqueue_dma source(%dma_start3A_270 : memref<50x128xi32, #tpu.memory_space<hbm>>) target(%arg5 : memref<50x128xi32, #tpu.memory_space<vmem>>) target_semaphore(%run_scoped3A : memref<!tpu.dma_semaphore, #tpu.memory_space<semaphore_mem>>)
      %dma_wait3A_271 = arith.constant 0 : i32
      %dma_wait3A_272 = arith.constant 0 : i32
      %dma_wait3A_273 = tpu.memref_slice %arg2[%add3A, %dma_wait3A_271, %dma_wait3A_272] : memref<32x50x128xi32, #tpu.memory_space<hbm>> -> memref<1x50x128xi32, #tpu.memory_space<hbm>>
      %dma_wait3A_274 = tpu.memref_squeeze %dma_wait3A_273 : memref<1x50x128xi32, #tpu.memory_space<hbm>> -> memref<50x128xi32, #tpu.memory_space<hbm>>
      %dma_wait3A_275 = arith.constant 0 : i32
      %dma_wait3A_276 = arith.constant 0 : i32
      %dma_wait3A_277 = tpu.memref_slice %arg2[%add3A, %dma_wait3A_275, %dma_wait3A_276] : memref<32x50x128xi32, #tpu.memory_space<hbm>> -> memref<1x50x128xi32, #tpu.memory_space<hbm>>
      %dma_wait3A_278 = tpu.memref_squeeze %dma_wait3A_277 : memref<1x50x128xi32, #tpu.memory_space<hbm>> -> memref<50x128xi32, #tpu.memory_space<hbm>>
      tpu.wait_dma2 semaphore(%run_scoped3A : memref<!tpu.dma_semaphore, #tpu.memory_space<semaphore_mem>>) src(%dma_wait3A_278 : memref<50x128xi32, #tpu.memory_space<hbm>>) dst(%arg5 : memref<50x128xi32, #tpu.memory_space<vmem>>)
      tpu.yield
    }) : () -> ()
    %dma_start3A = arith.constant 0 : i32
    %dma_start3A_3 = arith.constant 0 : i32
    %dma_start3A_4 = arith.constant 0 : i32
    %dma_start3A_5 = tpu.memref_slice %arg6[%dma_start3A_3, %dma_start3A_4] : memref<128x128xf32, #tpu.memory_space<vmem>> -> memref<128x128xf32, #tpu.memory_space<vmem>>
    %dma_start3A_6 = arith.constant 0 : i32
    %dma_start3A_7 = tpu.memref_slice %arg5[%dma_start3A, %dma_start3A_6] : memref<50x128xi32, #tpu.memory_space<vmem>> -> memref<1x128xi32, #tpu.memory_space<vmem>>
    %dma_start3A_8 = tpu.memref_squeeze %dma_start3A_7 : memref<1x128xi32, #tpu.memory_space<vmem>> -> memref<128xi32, #tpu.memory_space<vmem>>
    %dma_start3A_9 = arith.constant 0 : i32
    %dma_start3A_10 = arith.constant 0 : i32
    %dma_start3A_11 = tpu.memref_slice %arg3[%dma_start3A_9, %dma_start3A_10] : memref<100000x128xf32, #tpu.memory_space<hbm>> -> memref<100000x128xf32, #tpu.memory_space<hbm>>
    tpu.enqueue_indirect_dma source(%dma_start3A_11 : memref<100000x128xf32, #tpu.memory_space<hbm>>) target(%dma_start3A_5 : memref<128x128xf32, #tpu.memory_space<vmem>>) offsets(%dma_start3A_8 : memref<128xi32, #tpu.memory_space<vmem>>) semaphore(%arg12 : memref<!tpu.dma_semaphore, #tpu.memory_space<semaphore_mem>>)
    %dma_start3A_12 = arith.constant 1 : i32
    %dma_start3A_13 = arith.constant 0 : i32
    %dma_start3A_14 = arith.constant 0 : i32
    %dma_start3A_15 = tpu.memref_slice %arg7[%dma_start3A_13, %dma_start3A_14] : memref<128x128xf32, #tpu.memory_space<vmem>> -> memref<128x128xf32, #tpu.memory_space<vmem>>
    %dma_start3A_16 = arith.constant 0 : i32
    %dma_start3A_17 = tpu.memref_slice %arg5[%dma_start3A_12, %dma_start3A_16] : memref<50x128xi32, #tpu.memory_space<vmem>> -> memref<1x128xi32, #tpu.memory_space<vmem>>
    %dma_start3A_18 = tpu.memref_squeeze %dma_start3A_17 : memref<1x128xi32, #tpu.memory_space<vmem>> -> memref<128xi32, #tpu.memory_space<vmem>>
    %dma_start3A_19 = arith.constant 0 : i32
    %dma_start3A_20 = arith.constant 0 : i32
    %dma_start3A_21 = tpu.memref_slice %arg3[%dma_start3A_19, %dma_start3A_20] : memref<100000x128xf32, #tpu.memory_space<hbm>> -> memref<100000x128xf32, #tpu.memory_space<hbm>>
    tpu.enqueue_indirect_dma source(%dma_start3A_21 : memref<100000x128xf32, #tpu.memory_space<hbm>>) target(%dma_start3A_15 : memref<128x128xf32, #tpu.memory_space<vmem>>) offsets(%dma_start3A_18 : memref<128xi32, #tpu.memory_space<vmem>>) semaphore(%arg13 : memref<!tpu.dma_semaphore, #tpu.memory_space<semaphore_mem>>)
    %dma_start3A_22 = arith.constant 2 : i32
    %dma_start3A_23 = arith.constant 0 : i32
    %dma_start3A_24 = arith.constant 0 : i32
    %dma_start3A_25 = tpu.memref_slice %arg8[%dma_start3A_23, %dma_start3A_24] : memref<128x128xf32, #tpu.memory_space<vmem>> -> memref<128x128xf32, #tpu.memory_space<vmem>>
    %dma_start3A_26 = arith.constant 0 : i32
    %dma_start3A_27 = tpu.memref_slice %arg5[%dma_start3A_22, %dma_start3A_26] : memref<50x128xi32, #tpu.memory_space<vmem>> -> memref<1x128xi32, #tpu.memory_space<vmem>>
    %dma_start3A_28 = tpu.memref_squeeze %dma_start3A_27 : memref<1x128xi32, #tpu.memory_space<vmem>> -> memref<128xi32, #tpu.memory_space<vmem>>
    %dma_start3A_29 = arith.constant 0 : i32
    %dma_start3A_30 = arith.constant 0 : i32
    %dma_start3A_31 = tpu.memref_slice %arg3[%dma_start3A_29, %dma_start3A_30] : memref<100000x128xf32, #tpu.memory_space<hbm>> -> memref<100000x128xf32, #tpu.memory_space<hbm>>
    tpu.enqueue_indirect_dma source(%dma_start3A_31 : memref<100000x128xf32, #tpu.memory_space<hbm>>) target(%dma_start3A_25 : memref<128x128xf32, #tpu.memory_space<vmem>>) offsets(%dma_start3A_28 : memref<128xi32, #tpu.memory_space<vmem>>) semaphore(%arg14 : memref<!tpu.dma_semaphore, #tpu.memory_space<semaphore_mem>>)
    %dma_wait3A = arith.constant 0 : i32
    %dma_wait3A_32 = arith.constant 0 : i32
    %dma_wait3A_33 = arith.constant 0 : i32
    %dma_wait3A_34 = tpu.memref_slice %arg6[%dma_wait3A_32, %dma_wait3A_33] : memref<128x128xf32, #tpu.memory_space<vmem>> -> memref<128x128xf32, #tpu.memory_space<vmem>>
    %dma_wait3A_35 = arith.constant 0 : i32
    %dma_wait3A_36 = tpu.memref_slice %arg5[%dma_wait3A, %dma_wait3A_35] : memref<50x128xi32, #tpu.memory_space<vmem>> -> memref<1x128xi32, #tpu.memory_space<vmem>>
    %dma_wait3A_37 = tpu.memref_squeeze %dma_wait3A_36 : memref<1x128xi32, #tpu.memory_space<vmem>> -> memref<128xi32, #tpu.memory_space<vmem>>
    %dma_wait3A_38 = arith.constant 0 : i32
    %dma_wait3A_39 = arith.constant 0 : i32
    %dma_wait3A_40 = tpu.memref_slice %arg3[%dma_wait3A_38, %dma_wait3A_39] : memref<100000x128xf32, #tpu.memory_space<hbm>> -> memref<100000x128xf32, #tpu.memory_space<hbm>>
    tpu.wait_indirect_dma semaphore(%arg12 : memref<!tpu.dma_semaphore, #tpu.memory_space<semaphore_mem>>) src(%dma_wait3A_40 : memref<100000x128xf32, #tpu.memory_space<hbm>>) dst(%dma_wait3A_34 : memref<128x128xf32, #tpu.memory_space<vmem>>)
    %add3A_41 = arith.constant 0 : i32
    %add3A_42 = arith.addi %mul3A_2, %add3A_41 : i32
    %dma_start3A_43 = arith.constant 0 : i32
    %dma_start3A_44 = tpu.memref_slice %arg4[%add3A_42, %dma_start3A_43] : memref<204800x128xf32, #tpu.memory_space<hbm>> -> memref<128x128xf32, #tpu.memory_space<hbm>>
    %dma_start3A_45 = arith.constant 0 : i32
    %dma_start3A_46 = tpu.memref_slice %arg4[%add3A_42, %dma_start3A_45] : memref<204800x128xf32, #tpu.memory_space<hbm>> -> memref<128x128xf32, #tpu.memory_space<hbm>>
    tpu.enqueue_dma source(%arg6 : memref<128x128xf32, #tpu.memory_space<vmem>>) target(%dma_start3A_46 : memref<128x128xf32, #tpu.memory_space<hbm>>) target_semaphore(%arg18 : memref<!tpu.dma_semaphore, #tpu.memory_space<semaphore_mem>>)
    %dma_start3A_47 = arith.constant 3 : i32
    %dma_start3A_48 = arith.constant 0 : i32
    %dma_start3A_49 = arith.constant 0 : i32
    %dma_start3A_50 = tpu.memref_slice %arg9[%dma_start3A_48, %dma_start3A_49] : memref<128x128xf32, #tpu.memory_space<vmem>> -> memref<128x128xf32, #tpu.memory_space<vmem>>
    %dma_start3A_51 = arith.constant 0 : i32
    %dma_start3A_52 = tpu.memref_slice %arg5[%dma_start3A_47, %dma_start3A_51] : memref<50x128xi32, #tpu.memory_space<vmem>> -> memref<1x128xi32, #tpu.memory_space<vmem>>
    %dma_start3A_53 = tpu.memref_squeeze %dma_start3A_52 : memref<1x128xi32, #tpu.memory_space<vmem>> -> memref<128xi32, #tpu.memory_space<vmem>>
    %dma_start3A_54 = arith.constant 0 : i32
    %dma_start3A_55 = arith.constant 0 : i32
    %dma_start3A_56 = tpu.memref_slice %arg3[%dma_start3A_54, %dma_start3A_55] : memref<100000x128xf32, #tpu.memory_space<hbm>> -> memref<100000x128xf32, #tpu.memory_space<hbm>>
    tpu.enqueue_indirect_dma source(%dma_start3A_56 : memref<100000x128xf32, #tpu.memory_space<hbm>>) target(%dma_start3A_50 : memref<128x128xf32, #tpu.memory_space<vmem>>) offsets(%dma_start3A_53 : memref<128xi32, #tpu.memory_space<vmem>>) semaphore(%arg15 : memref<!tpu.dma_semaphore, #tpu.memory_space<semaphore_mem>>)
    %dma_wait3A_57 = arith.constant 1 : i32
    %dma_wait3A_58 = arith.constant 0 : i32
    %dma_wait3A_59 = arith.constant 0 : i32
    %dma_wait3A_60 = tpu.memref_slice %arg7[%dma_wait3A_58, %dma_wait3A_59] : memref<128x128xf32, #tpu.memory_space<vmem>> -> memref<128x128xf32, #tpu.memory_space<vmem>>
    %dma_wait3A_61 = arith.constant 0 : i32
    %dma_wait3A_62 = tpu.memref_slice %arg5[%dma_wait3A_57, %dma_wait3A_61] : memref<50x128xi32, #tpu.memory_space<vmem>> -> memref<1x128xi32, #tpu.memory_space<vmem>>
    %dma_wait3A_63 = tpu.memref_squeeze %dma_wait3A_62 : memref<1x128xi32, #tpu.memory_space<vmem>> -> memref<128xi32, #tpu.memory_space<vmem>>
    %dma_wait3A_64 = arith.constant 0 : i32
    %dma_wait3A_65 = arith.constant 0 : i32
    %dma_wait3A_66 = tpu.memref_slice %arg3[%dma_wait3A_64, %dma_wait3A_65] : memref<100000x128xf32, #tpu.memory_space<hbm>> -> memref<100000x128xf32, #tpu.memory_space<hbm>>
    tpu.wait_indirect_dma semaphore(%arg13 : memref<!tpu.dma_semaphore, #tpu.memory_space<semaphore_mem>>) src(%dma_wait3A_66 : memref<100000x128xf32, #tpu.memory_space<hbm>>) dst(%dma_wait3A_60 : memref<128x128xf32, #tpu.memory_space<vmem>>)
    %add3A_67 = arith.constant 128 : i32
    %add3A_68 = arith.addi %mul3A_2, %add3A_67 : i32
    %dma_start3A_69 = arith.constant 0 : i32
    %dma_start3A_70 = tpu.memref_slice %arg4[%add3A_68, %dma_start3A_69] : memref<204800x128xf32, #tpu.memory_space<hbm>> -> memref<128x128xf32, #tpu.memory_space<hbm>>
    %dma_start3A_71 = arith.constant 0 : i32
    %dma_start3A_72 = tpu.memref_slice %arg4[%add3A_68, %dma_start3A_71] : memref<204800x128xf32, #tpu.memory_space<hbm>> -> memref<128x128xf32, #tpu.memory_space<hbm>>
    tpu.enqueue_dma source(%arg7 : memref<128x128xf32, #tpu.memory_space<vmem>>) target(%dma_start3A_72 : memref<128x128xf32, #tpu.memory_space<hbm>>) target_semaphore(%arg19 : memref<!tpu.dma_semaphore, #tpu.memory_space<semaphore_mem>>)
    %dma_start3A_73 = arith.constant 4 : i32
    %dma_start3A_74 = arith.constant 0 : i32
    %dma_start3A_75 = arith.constant 0 : i32
    %dma_start3A_76 = tpu.memref_slice %arg10[%dma_start3A_74, %dma_start3A_75] : memref<128x128xf32, #tpu.memory_space<vmem>> -> memref<128x128xf32, #tpu.memory_space<vmem>>
    %dma_start3A_77 = arith.constant 0 : i32
    %dma_start3A_78 = tpu.memref_slice %arg5[%dma_start3A_73, %dma_start3A_77] : memref<50x128xi32, #tpu.memory_space<vmem>> -> memref<1x128xi32, #tpu.memory_space<vmem>>
    %dma_start3A_79 = tpu.memref_squeeze %dma_start3A_78 : memref<1x128xi32, #tpu.memory_space<vmem>> -> memref<128xi32, #tpu.memory_space<vmem>>
    %dma_start3A_80 = arith.constant 0 : i32
    %dma_start3A_81 = arith.constant 0 : i32
    %dma_start3A_82 = tpu.memref_slice %arg3[%dma_start3A_80, %dma_start3A_81] : memref<100000x128xf32, #tpu.memory_space<hbm>> -> memref<100000x128xf32, #tpu.memory_space<hbm>>
    tpu.enqueue_indirect_dma source(%dma_start3A_82 : memref<100000x128xf32, #tpu.memory_space<hbm>>) target(%dma_start3A_76 : memref<128x128xf32, #tpu.memory_space<vmem>>) offsets(%dma_start3A_79 : memref<128xi32, #tpu.memory_space<vmem>>) semaphore(%arg16 : memref<!tpu.dma_semaphore, #tpu.memory_space<semaphore_mem>>)
    %dma_wait3A_83 = arith.constant 2 : i32
    %dma_wait3A_84 = arith.constant 0 : i32
    %dma_wait3A_85 = arith.constant 0 : i32
    %dma_wait3A_86 = tpu.memref_slice %arg8[%dma_wait3A_84, %dma_wait3A_85] : memref<128x128xf32, #tpu.memory_space<vmem>> -> memref<128x128xf32, #tpu.memory_space<vmem>>
    %dma_wait3A_87 = arith.constant 0 : i32
    %dma_wait3A_88 = tpu.memref_slice %arg5[%dma_wait3A_83, %dma_wait3A_87] : memref<50x128xi32, #tpu.memory_space<vmem>> -> memref<1x128xi32, #tpu.memory_space<vmem>>
    %dma_wait3A_89 = tpu.memref_squeeze %dma_wait3A_88 : memref<1x128xi32, #tpu.memory_space<vmem>> -> memref<128xi32, #tpu.memory_space<vmem>>
    %dma_wait3A_90 = arith.constant 0 : i32
    %dma_wait3A_91 = arith.constant 0 : i32
    %dma_wait3A_92 = tpu.memref_slice %arg3[%dma_wait3A_90, %dma_wait3A_91] : memref<100000x128xf32, #tpu.memory_space<hbm>> -> memref<100000x128xf32, #tpu.memory_space<hbm>>
    tpu.wait_indirect_dma semaphore(%arg14 : memref<!tpu.dma_semaphore, #tpu.memory_space<semaphore_mem>>) src(%dma_wait3A_92 : memref<100000x128xf32, #tpu.memory_space<hbm>>) dst(%dma_wait3A_86 : memref<128x128xf32, #tpu.memory_space<vmem>>)
    %add3A_93 = arith.constant 256 : i32
    %add3A_94 = arith.addi %mul3A_2, %add3A_93 : i32
    %dma_start3A_95 = arith.constant 0 : i32
    %dma_start3A_96 = tpu.memref_slice %arg4[%add3A_94, %dma_start3A_95] : memref<204800x128xf32, #tpu.memory_space<hbm>> -> memref<128x128xf32, #tpu.memory_space<hbm>>
    %dma_start3A_97 = arith.constant 0 : i32
    %dma_start3A_98 = tpu.memref_slice %arg4[%add3A_94, %dma_start3A_97] : memref<204800x128xf32, #tpu.memory_space<hbm>> -> memref<128x128xf32, #tpu.memory_space<hbm>>
    tpu.enqueue_dma source(%arg8 : memref<128x128xf32, #tpu.memory_space<vmem>>) target(%dma_start3A_98 : memref<128x128xf32, #tpu.memory_space<hbm>>) target_semaphore(%arg20 : memref<!tpu.dma_semaphore, #tpu.memory_space<semaphore_mem>>)
    %dma_start3A_99 = arith.constant 5 : i32
    %dma_start3A_100 = arith.constant 0 : i32
    %dma_start3A_101 = arith.constant 0 : i32
    %dma_start3A_102 = tpu.memref_slice %arg11[%dma_start3A_100, %dma_start3A_101] : memref<128x128xf32, #tpu.memory_space<vmem>> -> memref<128x128xf32, #tpu.memory_space<vmem>>
    %dma_start3A_103 = arith.constant 0 : i32
    %dma_start3A_104 = tpu.memref_slice %arg5[%dma_start3A_99, %dma_start3A_103] : memref<50x128xi32, #tpu.memory_space<vmem>> -> memref<1x128xi32, #tpu.memory_space<vmem>>
    %dma_start3A_105 = tpu.memref_squeeze %dma_start3A_104 : memref<1x128xi32, #tpu.memory_space<vmem>> -> memref<128xi32, #tpu.memory_space<vmem>>
    %dma_start3A_106 = arith.constant 0 : i32
    %dma_start3A_107 = arith.constant 0 : i32
    %dma_start3A_108 = tpu.memref_slice %arg3[%dma_start3A_106, %dma_start3A_107] : memref<100000x128xf32, #tpu.memory_space<hbm>> -> memref<100000x128xf32, #tpu.memory_space<hbm>>
    tpu.enqueue_indirect_dma source(%dma_start3A_108 : memref<100000x128xf32, #tpu.memory_space<hbm>>) target(%dma_start3A_102 : memref<128x128xf32, #tpu.memory_space<vmem>>) offsets(%dma_start3A_105 : memref<128xi32, #tpu.memory_space<vmem>>) semaphore(%arg17 : memref<!tpu.dma_semaphore, #tpu.memory_space<semaphore_mem>>)
    %dma_wait3A_109 = arith.constant 3 : i32
    %dma_wait3A_110 = arith.constant 0 : i32
    %dma_wait3A_111 = arith.constant 0 : i32
    %dma_wait3A_112 = tpu.memref_slice %arg9[%dma_wait3A_110, %dma_wait3A_111] : memref<128x128xf32, #tpu.memory_space<vmem>> -> memref<128x128xf32, #tpu.memory_space<vmem>>
    %dma_wait3A_113 = arith.constant 0 : i32
    %dma_wait3A_114 = tpu.memref_slice %arg5[%dma_wait3A_109, %dma_wait3A_113] : memref<50x128xi32, #tpu.memory_space<vmem>> -> memref<1x128xi32, #tpu.memory_space<vmem>>
    %dma_wait3A_115 = tpu.memref_squeeze %dma_wait3A_114 : memref<1x128xi32, #tpu.memory_space<vmem>> -> memref<128xi32, #tpu.memory_space<vmem>>
    %dma_wait3A_116 = arith.constant 0 : i32
    %dma_wait3A_117 = arith.constant 0 : i32
    %dma_wait3A_118 = tpu.memref_slice %arg3[%dma_wait3A_116, %dma_wait3A_117] : memref<100000x128xf32, #tpu.memory_space<hbm>> -> memref<100000x128xf32, #tpu.memory_space<hbm>>
    tpu.wait_indirect_dma semaphore(%arg15 : memref<!tpu.dma_semaphore, #tpu.memory_space<semaphore_mem>>) src(%dma_wait3A_118 : memref<100000x128xf32, #tpu.memory_space<hbm>>) dst(%dma_wait3A_112 : memref<128x128xf32, #tpu.memory_space<vmem>>)
    %add3A_119 = arith.constant 384 : i32
    %add3A_120 = arith.addi %mul3A_2, %add3A_119 : i32
    %dma_start3A_121 = arith.constant 0 : i32
    %dma_start3A_122 = tpu.memref_slice %arg4[%add3A_120, %dma_start3A_121] : memref<204800x128xf32, #tpu.memory_space<hbm>> -> memref<128x128xf32, #tpu.memory_space<hbm>>
    %dma_start3A_123 = arith.constant 0 : i32
    %dma_start3A_124 = tpu.memref_slice %arg4[%add3A_120, %dma_start3A_123] : memref<204800x128xf32, #tpu.memory_space<hbm>> -> memref<128x128xf32, #tpu.memory_space<hbm>>
    tpu.enqueue_dma source(%arg9 : memref<128x128xf32, #tpu.memory_space<vmem>>) target(%dma_start3A_124 : memref<128x128xf32, #tpu.memory_space<hbm>>) target_semaphore(%arg21 : memref<!tpu.dma_semaphore, #tpu.memory_space<semaphore_mem>>)
    %add3A_125 = arith.constant 0 : i32
    %add3A_126 = arith.addi %mul3A_2, %add3A_125 : i32
    %dma_wait3A_127 = arith.constant 0 : i32
    %dma_wait3A_128 = tpu.memref_slice %arg4[%add3A_126, %dma_wait3A_127] : memref<204800x128xf32, #tpu.memory_space<hbm>> -> memref<128x128xf32, #tpu.memory_space<hbm>>
    %dma_wait3A_129 = arith.constant 0 : i32
    %dma_wait3A_130 = tpu.memref_slice %arg4[%add3A_126, %dma_wait3A_129] : memref<204800x128xf32, #tpu.memory_space<hbm>> -> memref<128x128xf32, #tpu.memory_space<hbm>>
    tpu.wait_dma2 semaphore(%arg18 : memref<!tpu.dma_semaphore, #tpu.memory_space<semaphore_mem>>) src(%arg6 : memref<128x128xf32, #tpu.memory_space<vmem>>) dst(%dma_wait3A_130 : memref<128x128xf32, #tpu.memory_space<hbm>>)
    %dma_start3A_131 = arith.constant 6 : i32
    %dma_start3A_132 = arith.constant 0 : i32
    %dma_start3A_133 = arith.constant 0 : i32
    %dma_start3A_134 = tpu.memref_slice %arg6[%dma_start3A_132, %dma_start3A_133] : memref<128x128xf32, #tpu.memory_space<vmem>> -> memref<128x128xf32, #tpu.memory_space<vmem>>
    %dma_start3A_135 = arith.constant 0 : i32
    %dma_start3A_136 = tpu.memref_slice %arg5[%dma_start3A_131, %dma_start3A_135] : memref<50x128xi32, #tpu.memory_space<vmem>> -> memref<1x128xi32, #tpu.memory_space<vmem>>
    %dma_start3A_137 = tpu.memref_squeeze %dma_start3A_136 : memref<1x128xi32, #tpu.memory_space<vmem>> -> memref<128xi32, #tpu.memory_space<vmem>>
    %dma_start3A_138 = arith.constant 0 : i32
    %dma_start3A_139 = arith.constant 0 : i32
    %dma_start3A_140 = tpu.memref_slice %arg3[%dma_start3A_138, %dma_start3A_139] : memref<100000x128xf32, #tpu.memory_space<hbm>> -> memref<100000x128xf32, #tpu.memory_space<hbm>>
    tpu.enqueue_indirect_dma source(%dma_start3A_140 : memref<100000x128xf32, #tpu.memory_space<hbm>>) target(%dma_start3A_134 : memref<128x128xf32, #tpu.memory_space<vmem>>) offsets(%dma_start3A_137 : memref<128xi32, #tpu.memory_space<vmem>>) semaphore(%arg12 : memref<!tpu.dma_semaphore, #tpu.memory_space<semaphore_mem>>)
    %dma_wait3A_141 = arith.constant 4 : i32
    %dma_wait3A_142 = arith.constant 0 : i32
    %dma_wait3A_143 = arith.constant 0 : i32
    %dma_wait3A_144 = tpu.memref_slice %arg10[%dma_wait3A_142, %dma_wait3A_143] : memref<128x128xf32, #tpu.memory_space<vmem>> -> memref<128x128xf32, #tpu.memory_space<vmem>>
    %dma_wait3A_145 = arith.constant 0 : i32
    %dma_wait3A_146 = tpu.memref_slice %arg5[%dma_wait3A_141, %dma_wait3A_145] : memref<50x128xi32, #tpu.memory_space<vmem>> -> memref<1x128xi32, #tpu.memory_space<vmem>>
    %dma_wait3A_147 = tpu.memref_squeeze %dma_wait3A_146 : memref<1x128xi32, #tpu.memory_space<vmem>> -> memref<128xi32, #tpu.memory_space<vmem>>
    %dma_wait3A_148 = arith.constant 0 : i32
    %dma_wait3A_149 = arith.constant 0 : i32
    %dma_wait3A_150 = tpu.memref_slice %arg3[%dma_wait3A_148, %dma_wait3A_149] : memref<100000x128xf32, #tpu.memory_space<hbm>> -> memref<100000x128xf32, #tpu.memory_space<hbm>>
    tpu.wait_indirect_dma semaphore(%arg16 : memref<!tpu.dma_semaphore, #tpu.memory_space<semaphore_mem>>) src(%dma_wait3A_150 : memref<100000x128xf32, #tpu.memory_space<hbm>>) dst(%dma_wait3A_144 : memref<128x128xf32, #tpu.memory_space<vmem>>)
    %add3A_151 = arith.constant 512 : i32
    %add3A_152 = arith.addi %mul3A_2, %add3A_151 : i32
    %dma_start3A_153 = arith.constant 0 : i32
    %dma_start3A_154 = tpu.memref_slice %arg4[%add3A_152, %dma_start3A_153] : memref<204800x128xf32, #tpu.memory_space<hbm>> -> memref<128x128xf32, #tpu.memory_space<hbm>>
    %dma_start3A_155 = arith.constant 0 : i32
    %dma_start3A_156 = tpu.memref_slice %arg4[%add3A_152, %dma_start3A_155] : memref<204800x128xf32, #tpu.memory_space<hbm>> -> memref<128x128xf32, #tpu.memory_space<hbm>>
    tpu.enqueue_dma source(%arg10 : memref<128x128xf32, #tpu.memory_space<vmem>>) target(%dma_start3A_156 : memref<128x128xf32, #tpu.memory_space<hbm>>) target_semaphore(%arg22 : memref<!tpu.dma_semaphore, #tpu.memory_space<semaphore_mem>>)
    %add3A_157 = arith.constant 128 : i32
    %add3A_158 = arith.addi %mul3A_2, %add3A_157 : i32
    %dma_wait3A_159 = arith.constant 0 : i32
    %dma_wait3A_160 = tpu.memref_slice %arg4[%add3A_158, %dma_wait3A_159] : memref<204800x128xf32, #tpu.memory_space<hbm>> -> memref<128x128xf32, #tpu.memory_space<hbm>>
    %dma_wait3A_161 = arith.constant 0 : i32
    %dma_wait3A_162 = tpu.memref_slice %arg4[%add3A_158, %dma_wait3A_161] : memref<204800x128xf32, #tpu.memory_space<hbm>> -> memref<128x128xf32, #tpu.memory_space<hbm>>
    tpu.wait_dma2 semaphore(%arg19 : memref<!tpu.dma_semaphore, #tpu.memory_space<semaphore_mem>>) src(%arg7 : memref<128x128xf32, #tpu.memory_space<vmem>>) dst(%dma_wait3A_162 : memref<128x128xf32, #tpu.memory_space<hbm>>)
    %dma_start3A_163 = arith.constant 7 : i32
    %dma_start3A_164 = arith.constant 0 : i32
    %dma_start3A_165 = arith.constant 0 : i32
    %dma_start3A_166 = tpu.memref_slice %arg7[%dma_start3A_164, %dma_start3A_165] : memref<128x128xf32, #tpu.memory_space<vmem>> -> memref<128x128xf32, #tpu.memory_space<vmem>>
    %dma_start3A_167 = arith.constant 0 : i32
    %dma_start3A_168 = tpu.memref_slice %arg5[%dma_start3A_163, %dma_start3A_167] : memref<50x128xi32, #tpu.memory_space<vmem>> -> memref<1x128xi32, #tpu.memory_space<vmem>>
    %dma_start3A_169 = tpu.memref_squeeze %dma_start3A_168 : memref<1x128xi32, #tpu.memory_space<vmem>> -> memref<128xi32, #tpu.memory_space<vmem>>
    %dma_start3A_170 = arith.constant 0 : i32
    %dma_start3A_171 = arith.constant 0 : i32
    %dma_start3A_172 = tpu.memref_slice %arg3[%dma_start3A_170, %dma_start3A_171] : memref<100000x128xf32, #tpu.memory_space<hbm>> -> memref<100000x128xf32, #tpu.memory_space<hbm>>
    tpu.enqueue_indirect_dma source(%dma_start3A_172 : memref<100000x128xf32, #tpu.memory_space<hbm>>) target(%dma_start3A_166 : memref<128x128xf32, #tpu.memory_space<vmem>>) offsets(%dma_start3A_169 : memref<128xi32, #tpu.memory_space<vmem>>) semaphore(%arg13 : memref<!tpu.dma_semaphore, #tpu.memory_space<semaphore_mem>>)
    %dma_wait3A_173 = arith.constant 5 : i32
    %dma_wait3A_174 = arith.constant 0 : i32
    %dma_wait3A_175 = arith.constant 0 : i32
    %dma_wait3A_176 = tpu.memref_slice %arg11[%dma_wait3A_174, %dma_wait3A_175] : memref<128x128xf32, #tpu.memory_space<vmem>> -> memref<128x128xf32, #tpu.memory_space<vmem>>
    %dma_wait3A_177 = arith.constant 0 : i32
    %dma_wait3A_178 = tpu.memref_slice %arg5[%dma_wait3A_173, %dma_wait3A_177] : memref<50x128xi32, #tpu.memory_space<vmem>> -> memref<1x128xi32, #tpu.memory_space<vmem>>
    %dma_wait3A_179 = tpu.memref_squeeze %dma_wait3A_178 : memref<1x128xi32, #tpu.memory_space<vmem>> -> memref<128xi32, #tpu.memory_space<vmem>>
    %dma_wait3A_180 = arith.constant 0 : i32
    %dma_wait3A_181 = arith.constant 0 : i32
    %dma_wait3A_182 = tpu.memref_slice %arg3[%dma_wait3A_180, %dma_wait3A_181] : memref<100000x128xf32, #tpu.memory_space<hbm>> -> memref<100000x128xf32, #tpu.memory_space<hbm>>
    tpu.wait_indirect_dma semaphore(%arg17 : memref<!tpu.dma_semaphore, #tpu.memory_space<semaphore_mem>>) src(%dma_wait3A_182 : memref<100000x128xf32, #tpu.memory_space<hbm>>) dst(%dma_wait3A_176 : memref<128x128xf32, #tpu.memory_space<vmem>>)
    %add3A_183 = arith.constant 640 : i32
    %add3A_184 = arith.addi %mul3A_2, %add3A_183 : i32
    %dma_start3A_185 = arith.constant 0 : i32
    %dma_start3A_186 = tpu.memref_slice %arg4[%add3A_184, %dma_start3A_185] : memref<204800x128xf32, #tpu.memory_space<hbm>> -> memref<128x128xf32, #tpu.memory_space<hbm>>
    %dma_start3A_187 = arith.constant 0 : i32
    %dma_start3A_188 = tpu.memref_slice %arg4[%add3A_184, %dma_start3A_187] : memref<204800x128xf32, #tpu.memory_space<hbm>> -> memref<128x128xf32, #tpu.memory_space<hbm>>
    tpu.enqueue_dma source(%arg11 : memref<128x128xf32, #tpu.memory_space<vmem>>) target(%dma_start3A_188 : memref<128x128xf32, #tpu.memory_space<hbm>>) target_semaphore(%arg23 : memref<!tpu.dma_semaphore, #tpu.memory_space<semaphore_mem>>)
    %scan3A = arith.constant 0 : i32
    %scan3A_189 = arith.constant 1 : i32
    %scan3A_190 = arith.constant 7 : i32
    %scan3A_191 = arith.addi %scan3A_189, %scan3A_190 : i32
    %scan3A_192 = arith.constant 1 : i32
    %scan3A_193 = scf.for %scan3A_263 = %scan3A_189 to %scan3A_191 step %scan3A_192 iter_args(%scan3A_264 = %scan3A) -> (i32)  : i32 {
      %mul3A_265 = arith.constant 6 : i32
      %mul3A_266 = arith.muli %scan3A_263, %mul3A_265 : i32
      %add3A_267 = arith.constant 0 : i32
      %add3A_268 = arith.addi %mul3A_266, %add3A_267 : i32
      %add3A_269 = arith.constant 2 : i32
      %add3A_270 = arith.addi %add3A_268, %add3A_269 : i32
      %sub3A = arith.constant 6 : i32
      %sub3A_271 = arith.subi %add3A_270, %sub3A : i32
      %mul3A_272 = arith.constant 128 : i32
      %mul3A_273 = arith.muli %sub3A_271, %mul3A_272 : i32
      %add3A_274 = arith.addi %mul3A_2, %mul3A_273 : i32
      %dma_wait3A_275 = arith.constant 0 : i32
      %dma_wait3A_276 = tpu.memref_slice %arg4[%add3A_274, %dma_wait3A_275] : memref<204800x128xf32, #tpu.memory_space<hbm>> -> memref<128x128xf32, #tpu.memory_space<hbm>>
      %dma_wait3A_277 = arith.constant 0 : i32
      %dma_wait3A_278 = tpu.memref_slice %arg4[%add3A_274, %dma_wait3A_277] : memref<204800x128xf32, #tpu.memory_space<hbm>> -> memref<128x128xf32, #tpu.memory_space<hbm>>
      tpu.wait_dma2 semaphore(%arg20 : memref<!tpu.dma_semaphore, #tpu.memory_space<semaphore_mem>>) src(%arg8 : memref<128x128xf32, #tpu.memory_space<vmem>>) dst(%dma_wait3A_278 : memref<128x128xf32, #tpu.memory_space<hbm>>)
      %mul3A_279 = arith.constant 1 : i32
      %mul3A_280 = arith.muli %add3A_270, %mul3A_279 : i32
      %add3A_281 = arith.constant 0 : i32
      %add3A_282 = arith.addi %mul3A_280, %add3A_281 : i32
      %dma_start3A_283 = arith.constant 0 : i32
      %dma_start3A_284 = arith.constant 0 : i32
      %dma_start3A_285 = tpu.memref_slice %arg8[%dma_start3A_283, %dma_start3A_284] : memref<128x128xf32, #tpu.memory_space<vmem>> -> memref<128x128xf32, #tpu.memory_space<vmem>>
      %dma_start3A_286 = arith.constant 0 : i32
      %dma_start3A_287 = tpu.memref_slice %arg5[%add3A_282, %dma_start3A_286] : memref<50x128xi32, #tpu.memory_space<vmem>> -> memref<1x128xi32, #tpu.memory_space<vmem>>
      %dma_start3A_288 = tpu.memref_squeeze %dma_start3A_287 : memref<1x128xi32, #tpu.memory_space<vmem>> -> memref<128xi32, #tpu.memory_space<vmem>>
      %dma_start3A_289 = arith.constant 0 : i32
      %dma_start3A_290 = arith.constant 0 : i32
      %dma_start3A_291 = tpu.memref_slice %arg3[%dma_start3A_289, %dma_start3A_290] : memref<100000x128xf32, #tpu.memory_space<hbm>> -> memref<100000x128xf32, #tpu.memory_space<hbm>>
      tpu.enqueue_indirect_dma source(%dma_start3A_291 : memref<100000x128xf32, #tpu.memory_space<hbm>>) target(%dma_start3A_285 : memref<128x128xf32, #tpu.memory_space<vmem>>) offsets(%dma_start3A_288 : memref<128xi32, #tpu.memory_space<vmem>>) semaphore(%arg14 : memref<!tpu.dma_semaphore, #tpu.memory_space<semaphore_mem>>)
      %mul3A_292 = arith.constant 1 : i32
      %mul3A_293 = arith.muli %add3A_268, %mul3A_292 : i32
      %add3A_294 = arith.constant 0 : i32
      %add3A_295 = arith.addi %mul3A_293, %add3A_294 : i32
      %dma_wait3A_296 = arith.constant 0 : i32
      %dma_wait3A_297 = arith.constant 0 : i32
      %dma_wait3A_298 = tpu.memref_slice %arg6[%dma_wait3A_296, %dma_wait3A_297] : memref<128x128xf32, #tpu.memory_space<vmem>> -> memref<128x128xf32, #tpu.memory_space<vmem>>
      %dma_wait3A_299 = arith.constant 0 : i32
      %dma_wait3A_300 = tpu.memref_slice %arg5[%add3A_295, %dma_wait3A_299] : memref<50x128xi32, #tpu.memory_space<vmem>> -> memref<1x128xi32, #tpu.memory_space<vmem>>
      %dma_wait3A_301 = tpu.memref_squeeze %dma_wait3A_300 : memref<1x128xi32, #tpu.memory_space<vmem>> -> memref<128xi32, #tpu.memory_space<vmem>>
      %dma_wait3A_302 = arith.constant 0 : i32
      %dma_wait3A_303 = arith.constant 0 : i32
      %dma_wait3A_304 = tpu.memref_slice %arg3[%dma_wait3A_302, %dma_wait3A_303] : memref<100000x128xf32, #tpu.memory_space<hbm>> -> memref<100000x128xf32, #tpu.memory_space<hbm>>
      tpu.wait_indirect_dma semaphore(%arg12 : memref<!tpu.dma_semaphore, #tpu.memory_space<semaphore_mem>>) src(%dma_wait3A_304 : memref<100000x128xf32, #tpu.memory_space<hbm>>) dst(%dma_wait3A_298 : memref<128x128xf32, #tpu.memory_space<vmem>>)
      %mul3A_305 = arith.constant 128 : i32
      %mul3A_306 = arith.muli %add3A_268, %mul3A_305 : i32
      %add3A_307 = arith.addi %mul3A_2, %mul3A_306 : i32
      %dma_start3A_308 = arith.constant 0 : i32
      %dma_start3A_309 = tpu.memref_slice %arg4[%add3A_307, %dma_start3A_308] : memref<204800x128xf32, #tpu.memory_space<hbm>> -> memref<128x128xf32, #tpu.memory_space<hbm>>
      %dma_start3A_310 = arith.constant 0 : i32
      %dma_start3A_311 = tpu.memref_slice %arg4[%add3A_307, %dma_start3A_310] : memref<204800x128xf32, #tpu.memory_space<hbm>> -> memref<128x128xf32, #tpu.memory_space<hbm>>
      tpu.enqueue_dma source(%arg6 : memref<128x128xf32, #tpu.memory_space<vmem>>) target(%dma_start3A_311 : memref<128x128xf32, #tpu.memory_space<hbm>>) target_semaphore(%arg18 : memref<!tpu.dma_semaphore, #tpu.memory_space<semaphore_mem>>)
      %mul3A_312 = arith.constant 6 : i32
      %mul3A_313 = arith.muli %scan3A_263, %mul3A_312 : i32
      %add3A_314 = arith.constant 1 : i32
      %add3A_315 = arith.addi %mul3A_313, %add3A_314 : i32
      %add3A_316 = arith.constant 2 : i32
      %add3A_317 = arith.addi %add3A_315, %add3A_316 : i32
      %sub3A_318 = arith.constant 6 : i32
      %sub3A_319 = arith.subi %add3A_317, %sub3A_318 : i32
      %mul3A_320 = arith.constant 128 : i32
      %mul3A_321 = arith.muli %sub3A_319, %mul3A_320 : i32
      %add3A_322 = arith.addi %mul3A_2, %mul3A_321 : i32
      %dma_wait3A_323 = arith.constant 0 : i32
      %dma_wait3A_324 = tpu.memref_slice %arg4[%add3A_322, %dma_wait3A_323] : memref<204800x128xf32, #tpu.memory_space<hbm>> -> memref<128x128xf32, #tpu.memory_space<hbm>>
      %dma_wait3A_325 = arith.constant 0 : i32
      %dma_wait3A_326 = tpu.memref_slice %arg4[%add3A_322, %dma_wait3A_325] : memref<204800x128xf32, #tpu.memory_space<hbm>> -> memref<128x128xf32, #tpu.memory_space<hbm>>
      tpu.wait_dma2 semaphore(%arg21 : memref<!tpu.dma_semaphore, #tpu.memory_space<semaphore_mem>>) src(%arg9 : memref<128x128xf32, #tpu.memory_space<vmem>>) dst(%dma_wait3A_326 : memref<128x128xf32, #tpu.memory_space<hbm>>)
      %mul3A_327 = arith.constant 1 : i32
      %mul3A_328 = arith.muli %add3A_317, %mul3A_327 : i32
      %add3A_329 = arith.constant 0 : i32
      %add3A_330 = arith.addi %mul3A_328, %add3A_329 : i32
      %dma_start3A_331 = arith.constant 0 : i32
      %dma_start3A_332 = arith.constant 0 : i32
      %dma_start3A_333 = tpu.memref_slice %arg9[%dma_start3A_331, %dma_start3A_332] : memref<128x128xf32, #tpu.memory_space<vmem>> -> memref<128x128xf32, #tpu.memory_space<vmem>>
      %dma_start3A_334 = arith.constant 0 : i32
      %dma_start3A_335 = tpu.memref_slice %arg5[%add3A_330, %dma_start3A_334] : memref<50x128xi32, #tpu.memory_space<vmem>> -> memref<1x128xi32, #tpu.memory_space<vmem>>
      %dma_start3A_336 = tpu.memref_squeeze %dma_start3A_335 : memref<1x128xi32, #tpu.memory_space<vmem>> -> memref<128xi32, #tpu.memory_space<vmem>>
      %dma_start3A_337 = arith.constant 0 : i32
      %dma_start3A_338 = arith.constant 0 : i32
      %dma_start3A_339 = tpu.memref_slice %arg3[%dma_start3A_337, %dma_start3A_338] : memref<100000x128xf32, #tpu.memory_space<hbm>> -> memref<100000x128xf32, #tpu.memory_space<hbm>>
      tpu.enqueue_indirect_dma source(%dma_start3A_339 : memref<100000x128xf32, #tpu.memory_space<hbm>>) target(%dma_start3A_333 : memref<128x128xf32, #tpu.memory_space<vmem>>) offsets(%dma_start3A_336 : memref<128xi32, #tpu.memory_space<vmem>>) semaphore(%arg15 : memref<!tpu.dma_semaphore, #tpu.memory_space<semaphore_mem>>)
      %mul3A_340 = arith.constant 1 : i32
      %mul3A_341 = arith.muli %add3A_315, %mul3A_340 : i32
      %add3A_342 = arith.constant 0 : i32
      %add3A_343 = arith.addi %mul3A_341, %add3A_342 : i32
      %dma_wait3A_344 = arith.constant 0 : i32
      %dma_wait3A_345 = arith.constant 0 : i32
      %dma_wait3A_346 = tpu.memref_slice %arg7[%dma_wait3A_344, %dma_wait3A_345] : memref<128x128xf32, #tpu.memory_space<vmem>> -> memref<128x128xf32, #tpu.memory_space<vmem>>
      %dma_wait3A_347 = arith.constant 0 : i32
      %dma_wait3A_348 = tpu.memref_slice %arg5[%add3A_343, %dma_wait3A_347] : memref<50x128xi32, #tpu.memory_space<vmem>> -> memref<1x128xi32, #tpu.memory_space<vmem>>
      %dma_wait3A_349 = tpu.memref_squeeze %dma_wait3A_348 : memref<1x128xi32, #tpu.memory_space<vmem>> -> memref<128xi32, #tpu.memory_space<vmem>>
      %dma_wait3A_350 = arith.constant 0 : i32
      %dma_wait3A_351 = arith.constant 0 : i32
      %dma_wait3A_352 = tpu.memref_slice %arg3[%dma_wait3A_350, %dma_wait3A_351] : memref<100000x128xf32, #tpu.memory_space<hbm>> -> memref<100000x128xf32, #tpu.memory_space<hbm>>
      tpu.wait_indirect_dma semaphore(%arg13 : memref<!tpu.dma_semaphore, #tpu.memory_space<semaphore_mem>>) src(%dma_wait3A_352 : memref<100000x128xf32, #tpu.memory_space<hbm>>) dst(%dma_wait3A_346 : memref<128x128xf32, #tpu.memory_space<vmem>>)
      %mul3A_353 = arith.constant 128 : i32
      %mul3A_354 = arith.muli %add3A_315, %mul3A_353 : i32
      %add3A_355 = arith.addi %mul3A_2, %mul3A_354 : i32
      %dma_start3A_356 = arith.constant 0 : i32
      %dma_start3A_357 = tpu.memref_slice %arg4[%add3A_355, %dma_start3A_356] : memref<204800x128xf32, #tpu.memory_space<hbm>> -> memref<128x128xf32, #tpu.memory_space<hbm>>
      %dma_start3A_358 = arith.constant 0 : i32
      %dma_start3A_359 = tpu.memref_slice %arg4[%add3A_355, %dma_start3A_358] : memref<204800x128xf32, #tpu.memory_space<hbm>> -> memref<128x128xf32, #tpu.memory_space<hbm>>
      tpu.enqueue_dma source(%arg7 : memref<128x128xf32, #tpu.memory_space<vmem>>) target(%dma_start3A_359 : memref<128x128xf32, #tpu.memory_space<hbm>>) target_semaphore(%arg19 : memref<!tpu.dma_semaphore, #tpu.memory_space<semaphore_mem>>)
      %mul3A_360 = arith.constant 6 : i32
      %mul3A_361 = arith.muli %scan3A_263, %mul3A_360 : i32
      %add3A_362 = arith.constant 2 : i32
      %add3A_363 = arith.addi %mul3A_361, %add3A_362 : i32
      %add3A_364 = arith.constant 2 : i32
      %add3A_365 = arith.addi %add3A_363, %add3A_364 : i32
      %sub3A_366 = arith.constant 6 : i32
      %sub3A_367 = arith.subi %add3A_365, %sub3A_366 : i32
      %mul3A_368 = arith.constant 128 : i32
      %mul3A_369 = arith.muli %sub3A_367, %mul3A_368 : i32
      %add3A_370 = arith.addi %mul3A_2, %mul3A_369 : i32
      %dma_wait3A_371 = arith.constant 0 : i32
      %dma_wait3A_372 = tpu.memref_slice %arg4[%add3A_370, %dma_wait3A_371] : memref<204800x128xf32, #tpu.memory_space<hbm>> -> memref<128x128xf32, #tpu.memory_space<hbm>>
      %dma_wait3A_373 = arith.constant 0 : i32
      %dma_wait3A_374 = tpu.memref_slice %arg4[%add3A_370, %dma_wait3A_373] : memref<204800x128xf32, #tpu.memory_space<hbm>> -> memref<128x128xf32, #tpu.memory_space<hbm>>
      tpu.wait_dma2 semaphore(%arg22 : memref<!tpu.dma_semaphore, #tpu.memory_space<semaphore_mem>>) src(%arg10 : memref<128x128xf32, #tpu.memory_space<vmem>>) dst(%dma_wait3A_374 : memref<128x128xf32, #tpu.memory_space<hbm>>)
      %mul3A_375 = arith.constant 1 : i32
      %mul3A_376 = arith.muli %add3A_365, %mul3A_375 : i32
      %add3A_377 = arith.constant 0 : i32
      %add3A_378 = arith.addi %mul3A_376, %add3A_377 : i32
      %dma_start3A_379 = arith.constant 0 : i32
      %dma_start3A_380 = arith.constant 0 : i32
      %dma_start3A_381 = tpu.memref_slice %arg10[%dma_start3A_379, %dma_start3A_380] : memref<128x128xf32, #tpu.memory_space<vmem>> -> memref<128x128xf32, #tpu.memory_space<vmem>>
      %dma_start3A_382 = arith.constant 0 : i32
      %dma_start3A_383 = tpu.memref_slice %arg5[%add3A_378, %dma_start3A_382] : memref<50x128xi32, #tpu.memory_space<vmem>> -> memref<1x128xi32, #tpu.memory_space<vmem>>
      %dma_start3A_384 = tpu.memref_squeeze %dma_start3A_383 : memref<1x128xi32, #tpu.memory_space<vmem>> -> memref<128xi32, #tpu.memory_space<vmem>>
      %dma_start3A_385 = arith.constant 0 : i32
      %dma_start3A_386 = arith.constant 0 : i32
      %dma_start3A_387 = tpu.memref_slice %arg3[%dma_start3A_385, %dma_start3A_386] : memref<100000x128xf32, #tpu.memory_space<hbm>> -> memref<100000x128xf32, #tpu.memory_space<hbm>>
      tpu.enqueue_indirect_dma source(%dma_start3A_387 : memref<100000x128xf32, #tpu.memory_space<hbm>>) target(%dma_start3A_381 : memref<128x128xf32, #tpu.memory_space<vmem>>) offsets(%dma_start3A_384 : memref<128xi32, #tpu.memory_space<vmem>>) semaphore(%arg16 : memref<!tpu.dma_semaphore, #tpu.memory_space<semaphore_mem>>)
      %mul3A_388 = arith.constant 1 : i32
      %mul3A_389 = arith.muli %add3A_363, %mul3A_388 : i32
      %add3A_390 = arith.constant 0 : i32
      %add3A_391 = arith.addi %mul3A_389, %add3A_390 : i32
      %dma_wait3A_392 = arith.constant 0 : i32
      %dma_wait3A_393 = arith.constant 0 : i32
      %dma_wait3A_394 = tpu.memref_slice %arg8[%dma_wait3A_392, %dma_wait3A_393] : memref<128x128xf32, #tpu.memory_space<vmem>> -> memref<128x128xf32, #tpu.memory_space<vmem>>
      %dma_wait3A_395 = arith.constant 0 : i32
      %dma_wait3A_396 = tpu.memref_slice %arg5[%add3A_391, %dma_wait3A_395] : memref<50x128xi32, #tpu.memory_space<vmem>> -> memref<1x128xi32, #tpu.memory_space<vmem>>
      %dma_wait3A_397 = tpu.memref_squeeze %dma_wait3A_396 : memref<1x128xi32, #tpu.memory_space<vmem>> -> memref<128xi32, #tpu.memory_space<vmem>>
      %dma_wait3A_398 = arith.constant 0 : i32
      %dma_wait3A_399 = arith.constant 0 : i32
      %dma_wait3A_400 = tpu.memref_slice %arg3[%dma_wait3A_398, %dma_wait3A_399] : memref<100000x128xf32, #tpu.memory_space<hbm>> -> memref<100000x128xf32, #tpu.memory_space<hbm>>
      tpu.wait_indirect_dma semaphore(%arg14 : memref<!tpu.dma_semaphore, #tpu.memory_space<semaphore_mem>>) src(%dma_wait3A_400 : memref<100000x128xf32, #tpu.memory_space<hbm>>) dst(%dma_wait3A_394 : memref<128x128xf32, #tpu.memory_space<vmem>>)
      %mul3A_401 = arith.constant 128 : i32
      %mul3A_402 = arith.muli %add3A_363, %mul3A_401 : i32
      %add3A_403 = arith.addi %mul3A_2, %mul3A_402 : i32
      %dma_start3A_404 = arith.constant 0 : i32
      %dma_start3A_405 = tpu.memref_slice %arg4[%add3A_403, %dma_start3A_404] : memref<204800x128xf32, #tpu.memory_space<hbm>> -> memref<128x128xf32, #tpu.memory_space<hbm>>
      %dma_start3A_406 = arith.constant 0 : i32
      %dma_start3A_407 = tpu.memref_slice %arg4[%add3A_403, %dma_start3A_406] : memref<204800x128xf32, #tpu.memory_space<hbm>> -> memref<128x128xf32, #tpu.memory_space<hbm>>
      tpu.enqueue_dma source(%arg8 : memref<128x128xf32, #tpu.memory_space<vmem>>) target(%dma_start3A_407 : memref<128x128xf32, #tpu.memory_space<hbm>>) target_semaphore(%arg20 : memref<!tpu.dma_semaphore, #tpu.memory_space<semaphore_mem>>)
      %mul3A_408 = arith.constant 6 : i32
      %mul3A_409 = arith.muli %scan3A_263, %mul3A_408 : i32
      %add3A_410 = arith.constant 3 : i32
      %add3A_411 = arith.addi %mul3A_409, %add3A_410 : i32
      %add3A_412 = arith.constant 2 : i32
      %add3A_413 = arith.addi %add3A_411, %add3A_412 : i32
      %sub3A_414 = arith.constant 6 : i32
      %sub3A_415 = arith.subi %add3A_413, %sub3A_414 : i32
      %mul3A_416 = arith.constant 128 : i32
      %mul3A_417 = arith.muli %sub3A_415, %mul3A_416 : i32
      %add3A_418 = arith.addi %mul3A_2, %mul3A_417 : i32
      %dma_wait3A_419 = arith.constant 0 : i32
      %dma_wait3A_420 = tpu.memref_slice %arg4[%add3A_418, %dma_wait3A_419] : memref<204800x128xf32, #tpu.memory_space<hbm>> -> memref<128x128xf32, #tpu.memory_space<hbm>>
      %dma_wait3A_421 = arith.constant 0 : i32
      %dma_wait3A_422 = tpu.memref_slice %arg4[%add3A_418, %dma_wait3A_421] : memref<204800x128xf32, #tpu.memory_space<hbm>> -> memref<128x128xf32, #tpu.memory_space<hbm>>
      tpu.wait_dma2 semaphore(%arg23 : memref<!tpu.dma_semaphore, #tpu.memory_space<semaphore_mem>>) src(%arg11 : memref<128x128xf32, #tpu.memory_space<vmem>>) dst(%dma_wait3A_422 : memref<128x128xf32, #tpu.memory_space<hbm>>)
      %mul3A_423 = arith.constant 1 : i32
      %mul3A_424 = arith.muli %add3A_413, %mul3A_423 : i32
      %add3A_425 = arith.constant 0 : i32
      %add3A_426 = arith.addi %mul3A_424, %add3A_425 : i32
      %dma_start3A_427 = arith.constant 0 : i32
      %dma_start3A_428 = arith.constant 0 : i32
      %dma_start3A_429 = tpu.memref_slice %arg11[%dma_start3A_427, %dma_start3A_428] : memref<128x128xf32, #tpu.memory_space<vmem>> -> memref<128x128xf32, #tpu.memory_space<vmem>>
      %dma_start3A_430 = arith.constant 0 : i32
      %dma_start3A_431 = tpu.memref_slice %arg5[%add3A_426, %dma_start3A_430] : memref<50x128xi32, #tpu.memory_space<vmem>> -> memref<1x128xi32, #tpu.memory_space<vmem>>
      %dma_start3A_432 = tpu.memref_squeeze %dma_start3A_431 : memref<1x128xi32, #tpu.memory_space<vmem>> -> memref<128xi32, #tpu.memory_space<vmem>>
      %dma_start3A_433 = arith.constant 0 : i32
      %dma_start3A_434 = arith.constant 0 : i32
      %dma_start3A_435 = tpu.memref_slice %arg3[%dma_start3A_433, %dma_start3A_434] : memref<100000x128xf32, #tpu.memory_space<hbm>> -> memref<100000x128xf32, #tpu.memory_space<hbm>>
      tpu.enqueue_indirect_dma source(%dma_start3A_435 : memref<100000x128xf32, #tpu.memory_space<hbm>>) target(%dma_start3A_429 : memref<128x128xf32, #tpu.memory_space<vmem>>) offsets(%dma_start3A_432 : memref<128xi32, #tpu.memory_space<vmem>>) semaphore(%arg17 : memref<!tpu.dma_semaphore, #tpu.memory_space<semaphore_mem>>)
      %mul3A_436 = arith.constant 1 : i32
      %mul3A_437 = arith.muli %add3A_411, %mul3A_436 : i32
      %add3A_438 = arith.constant 0 : i32
      %add3A_439 = arith.addi %mul3A_437, %add3A_438 : i32
      %dma_wait3A_440 = arith.constant 0 : i32
      %dma_wait3A_441 = arith.constant 0 : i32
      %dma_wait3A_442 = tpu.memref_slice %arg9[%dma_wait3A_440, %dma_wait3A_441] : memref<128x128xf32, #tpu.memory_space<vmem>> -> memref<128x128xf32, #tpu.memory_space<vmem>>
      %dma_wait3A_443 = arith.constant 0 : i32
      %dma_wait3A_444 = tpu.memref_slice %arg5[%add3A_439, %dma_wait3A_443] : memref<50x128xi32, #tpu.memory_space<vmem>> -> memref<1x128xi32, #tpu.memory_space<vmem>>
      %dma_wait3A_445 = tpu.memref_squeeze %dma_wait3A_444 : memref<1x128xi32, #tpu.memory_space<vmem>> -> memref<128xi32, #tpu.memory_space<vmem>>
      %dma_wait3A_446 = arith.constant 0 : i32
      %dma_wait3A_447 = arith.constant 0 : i32
      %dma_wait3A_448 = tpu.memref_slice %arg3[%dma_wait3A_446, %dma_wait3A_447] : memref<100000x128xf32, #tpu.memory_space<hbm>> -> memref<100000x128xf32, #tpu.memory_space<hbm>>
      tpu.wait_indirect_dma semaphore(%arg15 : memref<!tpu.dma_semaphore, #tpu.memory_space<semaphore_mem>>) src(%dma_wait3A_448 : memref<100000x128xf32, #tpu.memory_space<hbm>>) dst(%dma_wait3A_442 : memref<128x128xf32, #tpu.memory_space<vmem>>)
      %mul3A_449 = arith.constant 128 : i32
      %mul3A_450 = arith.muli %add3A_411, %mul3A_449 : i32
      %add3A_451 = arith.addi %mul3A_2, %mul3A_450 : i32
      %dma_start3A_452 = arith.constant 0 : i32
      %dma_start3A_453 = tpu.memref_slice %arg4[%add3A_451, %dma_start3A_452] : memref<204800x128xf32, #tpu.memory_space<hbm>> -> memref<128x128xf32, #tpu.memory_space<hbm>>
      %dma_start3A_454 = arith.constant 0 : i32
      %dma_start3A_455 = tpu.memref_slice %arg4[%add3A_451, %dma_start3A_454] : memref<204800x128xf32, #tpu.memory_space<hbm>> -> memref<128x128xf32, #tpu.memory_space<hbm>>
      tpu.enqueue_dma source(%arg9 : memref<128x128xf32, #tpu.memory_space<vmem>>) target(%dma_start3A_455 : memref<128x128xf32, #tpu.memory_space<hbm>>) target_semaphore(%arg21 : memref<!tpu.dma_semaphore, #tpu.memory_space<semaphore_mem>>)
      %mul3A_456 = arith.constant 6 : i32
      %mul3A_457 = arith.muli %scan3A_263, %mul3A_456 : i32
      %add3A_458 = arith.constant 4 : i32
      %add3A_459 = arith.addi %mul3A_457, %add3A_458 : i32
      %add3A_460 = arith.constant 2 : i32
      %add3A_461 = arith.addi %add3A_459, %add3A_460 : i32
      %sub3A_462 = arith.constant 6 : i32
      %sub3A_463 = arith.subi %add3A_461, %sub3A_462 : i32
      %mul3A_464 = arith.constant 128 : i32
      %mul3A_465 = arith.muli %sub3A_463, %mul3A_464 : i32
      %add3A_466 = arith.addi %mul3A_2, %mul3A_465 : i32
      %dma_wait3A_467 = arith.constant 0 : i32
      %dma_wait3A_468 = tpu.memref_slice %arg4[%add3A_466, %dma_wait3A_467] : memref<204800x128xf32, #tpu.memory_space<hbm>> -> memref<128x128xf32, #tpu.memory_space<hbm>>
      %dma_wait3A_469 = arith.constant 0 : i32
      %dma_wait3A_470 = tpu.memref_slice %arg4[%add3A_466, %dma_wait3A_469] : memref<204800x128xf32, #tpu.memory_space<hbm>> -> memref<128x128xf32, #tpu.memory_space<hbm>>
      tpu.wait_dma2 semaphore(%arg18 : memref<!tpu.dma_semaphore, #tpu.memory_space<semaphore_mem>>) src(%arg6 : memref<128x128xf32, #tpu.memory_space<vmem>>) dst(%dma_wait3A_470 : memref<128x128xf32, #tpu.memory_space<hbm>>)
      %mul3A_471 = arith.constant 1 : i32
      %mul3A_472 = arith.muli %add3A_461, %mul3A_471 : i32
      %add3A_473 = arith.constant 0 : i32
      %add3A_474 = arith.addi %mul3A_472, %add3A_473 : i32
      %dma_start3A_475 = arith.constant 0 : i32
      %dma_start3A_476 = arith.constant 0 : i32
      %dma_start3A_477 = tpu.memref_slice %arg6[%dma_start3A_475, %dma_start3A_476] : memref<128x128xf32, #tpu.memory_space<vmem>> -> memref<128x128xf32, #tpu.memory_space<vmem>>
      %dma_start3A_478 = arith.constant 0 : i32
      %dma_start3A_479 = tpu.memref_slice %arg5[%add3A_474, %dma_start3A_478] : memref<50x128xi32, #tpu.memory_space<vmem>> -> memref<1x128xi32, #tpu.memory_space<vmem>>
      %dma_start3A_480 = tpu.memref_squeeze %dma_start3A_479 : memref<1x128xi32, #tpu.memory_space<vmem>> -> memref<128xi32, #tpu.memory_space<vmem>>
      %dma_start3A_481 = arith.constant 0 : i32
      %dma_start3A_482 = arith.constant 0 : i32
      %dma_start3A_483 = tpu.memref_slice %arg3[%dma_start3A_481, %dma_start3A_482] : memref<100000x128xf32, #tpu.memory_space<hbm>> -> memref<100000x128xf32, #tpu.memory_space<hbm>>
      tpu.enqueue_indirect_dma source(%dma_start3A_483 : memref<100000x128xf32, #tpu.memory_space<hbm>>) target(%dma_start3A_477 : memref<128x128xf32, #tpu.memory_space<vmem>>) offsets(%dma_start3A_480 : memref<128xi32, #tpu.memory_space<vmem>>) semaphore(%arg12 : memref<!tpu.dma_semaphore, #tpu.memory_space<semaphore_mem>>)
      %mul3A_484 = arith.constant 1 : i32
      %mul3A_485 = arith.muli %add3A_459, %mul3A_484 : i32
      %add3A_486 = arith.constant 0 : i32
      %add3A_487 = arith.addi %mul3A_485, %add3A_486 : i32
      %dma_wait3A_488 = arith.constant 0 : i32
      %dma_wait3A_489 = arith.constant 0 : i32
      %dma_wait3A_490 = tpu.memref_slice %arg10[%dma_wait3A_488, %dma_wait3A_489] : memref<128x128xf32, #tpu.memory_space<vmem>> -> memref<128x128xf32, #tpu.memory_space<vmem>>
      %dma_wait3A_491 = arith.constant 0 : i32
      %dma_wait3A_492 = tpu.memref_slice %arg5[%add3A_487, %dma_wait3A_491] : memref<50x128xi32, #tpu.memory_space<vmem>> -> memref<1x128xi32, #tpu.memory_space<vmem>>
      %dma_wait3A_493 = tpu.memref_squeeze %dma_wait3A_492 : memref<1x128xi32, #tpu.memory_space<vmem>> -> memref<128xi32, #tpu.memory_space<vmem>>
      %dma_wait3A_494 = arith.constant 0 : i32
      %dma_wait3A_495 = arith.constant 0 : i32
      %dma_wait3A_496 = tpu.memref_slice %arg3[%dma_wait3A_494, %dma_wait3A_495] : memref<100000x128xf32, #tpu.memory_space<hbm>> -> memref<100000x128xf32, #tpu.memory_space<hbm>>
      tpu.wait_indirect_dma semaphore(%arg16 : memref<!tpu.dma_semaphore, #tpu.memory_space<semaphore_mem>>) src(%dma_wait3A_496 : memref<100000x128xf32, #tpu.memory_space<hbm>>) dst(%dma_wait3A_490 : memref<128x128xf32, #tpu.memory_space<vmem>>)
      %mul3A_497 = arith.constant 128 : i32
      %mul3A_498 = arith.muli %add3A_459, %mul3A_497 : i32
      %add3A_499 = arith.addi %mul3A_2, %mul3A_498 : i32
      %dma_start3A_500 = arith.constant 0 : i32
      %dma_start3A_501 = tpu.memref_slice %arg4[%add3A_499, %dma_start3A_500] : memref<204800x128xf32, #tpu.memory_space<hbm>> -> memref<128x128xf32, #tpu.memory_space<hbm>>
      %dma_start3A_502 = arith.constant 0 : i32
      %dma_start3A_503 = tpu.memref_slice %arg4[%add3A_499, %dma_start3A_502] : memref<204800x128xf32, #tpu.memory_space<hbm>> -> memref<128x128xf32, #tpu.memory_space<hbm>>
      tpu.enqueue_dma source(%arg10 : memref<128x128xf32, #tpu.memory_space<vmem>>) target(%dma_start3A_503 : memref<128x128xf32, #tpu.memory_space<hbm>>) target_semaphore(%arg22 : memref<!tpu.dma_semaphore, #tpu.memory_space<semaphore_mem>>)
      %mul3A_504 = arith.constant 6 : i32
      %mul3A_505 = arith.muli %scan3A_263, %mul3A_504 : i32
      %add3A_506 = arith.constant 5 : i32
      %add3A_507 = arith.addi %mul3A_505, %add3A_506 : i32
      %add3A_508 = arith.constant 2 : i32
      %add3A_509 = arith.addi %add3A_507, %add3A_508 : i32
      %sub3A_510 = arith.constant 6 : i32
      %sub3A_511 = arith.subi %add3A_509, %sub3A_510 : i32
      %mul3A_512 = arith.constant 128 : i32
      %mul3A_513 = arith.muli %sub3A_511, %mul3A_512 : i32
      %add3A_514 = arith.addi %mul3A_2, %mul3A_513 : i32
      %dma_wait3A_515 = arith.constant 0 : i32
      %dma_wait3A_516 = tpu.memref_slice %arg4[%add3A_514, %dma_wait3A_515] : memref<204800x128xf32, #tpu.memory_space<hbm>> -> memref<128x128xf32, #tpu.memory_space<hbm>>
      %dma_wait3A_517 = arith.constant 0 : i32
      %dma_wait3A_518 = tpu.memref_slice %arg4[%add3A_514, %dma_wait3A_517] : memref<204800x128xf32, #tpu.memory_space<hbm>> -> memref<128x128xf32, #tpu.memory_space<hbm>>
      tpu.wait_dma2 semaphore(%arg19 : memref<!tpu.dma_semaphore, #tpu.memory_space<semaphore_mem>>) src(%arg7 : memref<128x128xf32, #tpu.memory_space<vmem>>) dst(%dma_wait3A_518 : memref<128x128xf32, #tpu.memory_space<hbm>>)
      %mul3A_519 = arith.constant 1 : i32
      %mul3A_520 = arith.muli %add3A_509, %mul3A_519 : i32
      %add3A_521 = arith.constant 0 : i32
      %add3A_522 = arith.addi %mul3A_520, %add3A_521 : i32
      %dma_start3A_523 = arith.constant 0 : i32
      %dma_start3A_524 = arith.constant 0 : i32
      %dma_start3A_525 = tpu.memref_slice %arg7[%dma_start3A_523, %dma_start3A_524] : memref<128x128xf32, #tpu.memory_space<vmem>> -> memref<128x128xf32, #tpu.memory_space<vmem>>
      %dma_start3A_526 = arith.constant 0 : i32
      %dma_start3A_527 = tpu.memref_slice %arg5[%add3A_522, %dma_start3A_526] : memref<50x128xi32, #tpu.memory_space<vmem>> -> memref<1x128xi32, #tpu.memory_space<vmem>>
      %dma_start3A_528 = tpu.memref_squeeze %dma_start3A_527 : memref<1x128xi32, #tpu.memory_space<vmem>> -> memref<128xi32, #tpu.memory_space<vmem>>
      %dma_start3A_529 = arith.constant 0 : i32
      %dma_start3A_530 = arith.constant 0 : i32
      %dma_start3A_531 = tpu.memref_slice %arg3[%dma_start3A_529, %dma_start3A_530] : memref<100000x128xf32, #tpu.memory_space<hbm>> -> memref<100000x128xf32, #tpu.memory_space<hbm>>
      tpu.enqueue_indirect_dma source(%dma_start3A_531 : memref<100000x128xf32, #tpu.memory_space<hbm>>) target(%dma_start3A_525 : memref<128x128xf32, #tpu.memory_space<vmem>>) offsets(%dma_start3A_528 : memref<128xi32, #tpu.memory_space<vmem>>) semaphore(%arg13 : memref<!tpu.dma_semaphore, #tpu.memory_space<semaphore_mem>>)
      %mul3A_532 = arith.constant 1 : i32
      %mul3A_533 = arith.muli %add3A_507, %mul3A_532 : i32
      %add3A_534 = arith.constant 0 : i32
      %add3A_535 = arith.addi %mul3A_533, %add3A_534 : i32
      %dma_wait3A_536 = arith.constant 0 : i32
      %dma_wait3A_537 = arith.constant 0 : i32
      %dma_wait3A_538 = tpu.memref_slice %arg11[%dma_wait3A_536, %dma_wait3A_537] : memref<128x128xf32, #tpu.memory_space<vmem>> -> memref<128x128xf32, #tpu.memory_space<vmem>>
      %dma_wait3A_539 = arith.constant 0 : i32
      %dma_wait3A_540 = tpu.memref_slice %arg5[%add3A_535, %dma_wait3A_539] : memref<50x128xi32, #tpu.memory_space<vmem>> -> memref<1x128xi32, #tpu.memory_space<vmem>>
      %dma_wait3A_541 = tpu.memref_squeeze %dma_wait3A_540 : memref<1x128xi32, #tpu.memory_space<vmem>> -> memref<128xi32, #tpu.memory_space<vmem>>
      %dma_wait3A_542 = arith.constant 0 : i32
      %dma_wait3A_543 = arith.constant 0 : i32
      %dma_wait3A_544 = tpu.memref_slice %arg3[%dma_wait3A_542, %dma_wait3A_543] : memref<100000x128xf32, #tpu.memory_space<hbm>> -> memref<100000x128xf32, #tpu.memory_space<hbm>>
      tpu.wait_indirect_dma semaphore(%arg17 : memref<!tpu.dma_semaphore, #tpu.memory_space<semaphore_mem>>) src(%dma_wait3A_544 : memref<100000x128xf32, #tpu.memory_space<hbm>>) dst(%dma_wait3A_538 : memref<128x128xf32, #tpu.memory_space<vmem>>)
      %mul3A_545 = arith.constant 128 : i32
      %mul3A_546 = arith.muli %add3A_507, %mul3A_545 : i32
      %add3A_547 = arith.addi %mul3A_2, %mul3A_546 : i32
      %dma_start3A_548 = arith.constant 0 : i32
      %dma_start3A_549 = tpu.memref_slice %arg4[%add3A_547, %dma_start3A_548] : memref<204800x128xf32, #tpu.memory_space<hbm>> -> memref<128x128xf32, #tpu.memory_space<hbm>>
      %dma_start3A_550 = arith.constant 0 : i32
      %dma_start3A_551 = tpu.memref_slice %arg4[%add3A_547, %dma_start3A_550] : memref<204800x128xf32, #tpu.memory_space<hbm>> -> memref<128x128xf32, #tpu.memory_space<hbm>>
      tpu.enqueue_dma source(%arg11 : memref<128x128xf32, #tpu.memory_space<vmem>>) target(%dma_start3A_551 : memref<128x128xf32, #tpu.memory_space<hbm>>) target_semaphore(%arg23 : memref<!tpu.dma_semaphore, #tpu.memory_space<semaphore_mem>>)
      %scan3A_552 = arith.constant 0 : i32
      scf.yield %scan3A_552 : i32
    }
    %scan3A_194 = arith.constant 7 : i32
    %dma_wait3A_195 = arith.constant 48 : i32
    %dma_wait3A_196 = arith.constant 0 : i32
    %dma_wait3A_197 = arith.constant 0 : i32
    %dma_wait3A_198 = tpu.memref_slice %arg6[%dma_wait3A_196, %dma_wait3A_197] : memref<128x128xf32, #tpu.memory_space<vmem>> -> memref<128x128xf32, #tpu.memory_space<vmem>>
    %dma_wait3A_199 = arith.constant 0 : i32
    %dma_wait3A_200 = tpu.memref_slice %arg5[%dma_wait3A_195, %dma_wait3A_199] : memref<50x128xi32, #tpu.memory_space<vmem>> -> memref<1x128xi32, #tpu.memory_space<vmem>>
    %dma_wait3A_201 = tpu.memref_squeeze %dma_wait3A_200 : memref<1x128xi32, #tpu.memory_space<vmem>> -> memref<128xi32, #tpu.memory_space<vmem>>
    %dma_wait3A_202 = arith.constant 0 : i32
    %dma_wait3A_203 = arith.constant 0 : i32
    %dma_wait3A_204 = tpu.memref_slice %arg3[%dma_wait3A_202, %dma_wait3A_203] : memref<100000x128xf32, #tpu.memory_space<hbm>> -> memref<100000x128xf32, #tpu.memory_space<hbm>>
    tpu.wait_indirect_dma semaphore(%arg12 : memref<!tpu.dma_semaphore, #tpu.memory_space<semaphore_mem>>) src(%dma_wait3A_204 : memref<100000x128xf32, #tpu.memory_space<hbm>>) dst(%dma_wait3A_198 : memref<128x128xf32, #tpu.memory_space<vmem>>)
    %add3A_205 = arith.constant 6144 : i32
    %add3A_206 = arith.addi %mul3A_2, %add3A_205 : i32
    %dma_start3A_207 = arith.constant 0 : i32
    %dma_start3A_208 = tpu.memref_slice %arg4[%add3A_206, %dma_start3A_207] : memref<204800x128xf32, #tpu.memory_space<hbm>> -> memref<128x128xf32, #tpu.memory_space<hbm>>
    %dma_start3A_209 = arith.constant 0 : i32
    %dma_start3A_210 = tpu.memref_slice %arg4[%add3A_206, %dma_start3A_209] : memref<204800x128xf32, #tpu.memory_space<hbm>> -> memref<128x128xf32, #tpu.memory_space<hbm>>
    tpu.enqueue_dma source(%arg6 : memref<128x128xf32, #tpu.memory_space<vmem>>) target(%dma_start3A_210 : memref<128x128xf32, #tpu.memory_space<hbm>>) target_semaphore(%arg18 : memref<!tpu.dma_semaphore, #tpu.memory_space<semaphore_mem>>)
    %dma_wait3A_211 = arith.constant 49 : i32
    %dma_wait3A_212 = arith.constant 0 : i32
    %dma_wait3A_213 = arith.constant 0 : i32
    %dma_wait3A_214 = tpu.memref_slice %arg7[%dma_wait3A_212, %dma_wait3A_213] : memref<128x128xf32, #tpu.memory_space<vmem>> -> memref<128x128xf32, #tpu.memory_space<vmem>>
    %dma_wait3A_215 = arith.constant 0 : i32
    %dma_wait3A_216 = tpu.memref_slice %arg5[%dma_wait3A_211, %dma_wait3A_215] : memref<50x128xi32, #tpu.memory_space<vmem>> -> memref<1x128xi32, #tpu.memory_space<vmem>>
    %dma_wait3A_217 = tpu.memref_squeeze %dma_wait3A_216 : memref<1x128xi32, #tpu.memory_space<vmem>> -> memref<128xi32, #tpu.memory_space<vmem>>
    %dma_wait3A_218 = arith.constant 0 : i32
    %dma_wait3A_219 = arith.constant 0 : i32
    %dma_wait3A_220 = tpu.memref_slice %arg3[%dma_wait3A_218, %dma_wait3A_219] : memref<100000x128xf32, #tpu.memory_space<hbm>> -> memref<100000x128xf32, #tpu.memory_space<hbm>>
    tpu.wait_indirect_dma semaphore(%arg13 : memref<!tpu.dma_semaphore, #tpu.memory_space<semaphore_mem>>) src(%dma_wait3A_220 : memref<100000x128xf32, #tpu.memory_space<hbm>>) dst(%dma_wait3A_214 : memref<128x128xf32, #tpu.memory_space<vmem>>)
    %add3A_221 = arith.constant 6272 : i32
    %add3A_222 = arith.addi %mul3A_2, %add3A_221 : i32
    %dma_start3A_223 = arith.constant 0 : i32
    %dma_start3A_224 = tpu.memref_slice %arg4[%add3A_222, %dma_start3A_223] : memref<204800x128xf32, #tpu.memory_space<hbm>> -> memref<128x128xf32, #tpu.memory_space<hbm>>
    %dma_start3A_225 = arith.constant 0 : i32
    %dma_start3A_226 = tpu.memref_slice %arg4[%add3A_222, %dma_start3A_225] : memref<204800x128xf32, #tpu.memory_space<hbm>> -> memref<128x128xf32, #tpu.memory_space<hbm>>
    tpu.enqueue_dma source(%arg7 : memref<128x128xf32, #tpu.memory_space<vmem>>) target(%dma_start3A_226 : memref<128x128xf32, #tpu.memory_space<hbm>>) target_semaphore(%arg19 : memref<!tpu.dma_semaphore, #tpu.memory_space<semaphore_mem>>)
    %add3A_227 = arith.constant 5632 : i32
    %add3A_228 = arith.addi %mul3A_2, %add3A_227 : i32
    %dma_wait3A_229 = arith.constant 0 : i32
    %dma_wait3A_230 = tpu.memref_slice %arg4[%add3A_228, %dma_wait3A_229] : memref<204800x128xf32, #tpu.memory_space<hbm>> -> memref<128x128xf32, #tpu.memory_space<hbm>>
    %dma_wait3A_231 = arith.constant 0 : i32
    %dma_wait3A_232 = tpu.memref_slice %arg4[%add3A_228, %dma_wait3A_231] : memref<204800x128xf32, #tpu.memory_space<hbm>> -> memref<128x128xf32, #tpu.memory_space<hbm>>
    tpu.wait_dma2 semaphore(%arg20 : memref<!tpu.dma_semaphore, #tpu.memory_space<semaphore_mem>>) src(%arg8 : memref<128x128xf32, #tpu.memory_space<vmem>>) dst(%dma_wait3A_232 : memref<128x128xf32, #tpu.memory_space<hbm>>)
    %add3A_233 = arith.constant 5760 : i32
    %add3A_234 = arith.addi %mul3A_2, %add3A_233 : i32
    %dma_wait3A_235 = arith.constant 0 : i32
    %dma_wait3A_236 = tpu.memref_slice %arg4[%add3A_234, %dma_wait3A_235] : memref<204800x128xf32, #tpu.memory_space<hbm>> -> memref<128x128xf32, #tpu.memory_space<hbm>>
    %dma_wait3A_237 = arith.constant 0 : i32
    %dma_wait3A_238 = tpu.memref_slice %arg4[%add3A_234, %dma_wait3A_237] : memref<204800x128xf32, #tpu.memory_space<hbm>> -> memref<128x128xf32, #tpu.memory_space<hbm>>
    tpu.wait_dma2 semaphore(%arg21 : memref<!tpu.dma_semaphore, #tpu.memory_space<semaphore_mem>>) src(%arg9 : memref<128x128xf32, #tpu.memory_space<vmem>>) dst(%dma_wait3A_238 : memref<128x128xf32, #tpu.memory_space<hbm>>)
    %add3A_239 = arith.constant 5888 : i32
    %add3A_240 = arith.addi %mul3A_2, %add3A_239 : i32
    %dma_wait3A_241 = arith.constant 0 : i32
    %dma_wait3A_242 = tpu.memref_slice %arg4[%add3A_240, %dma_wait3A_241] : memref<204800x128xf32, #tpu.memory_space<hbm>> -> memref<128x128xf32, #tpu.memory_space<hbm>>
    %dma_wait3A_243 = arith.constant 0 : i32
    %dma_wait3A_244 = tpu.memref_slice %arg4[%add3A_240, %dma_wait3A_243] : memref<204800x128xf32, #tpu.memory_space<hbm>> -> memref<128x128xf32, #tpu.memory_space<hbm>>
    tpu.wait_dma2 semaphore(%arg22 : memref<!tpu.dma_semaphore, #tpu.memory_space<semaphore_mem>>) src(%arg10 : memref<128x128xf32, #tpu.memory_space<vmem>>) dst(%dma_wait3A_244 : memref<128x128xf32, #tpu.memory_space<hbm>>)
    %add3A_245 = arith.constant 6016 : i32
    %add3A_246 = arith.addi %mul3A_2, %add3A_245 : i32
    %dma_wait3A_247 = arith.constant 0 : i32
    %dma_wait3A_248 = tpu.memref_slice %arg4[%add3A_246, %dma_wait3A_247] : memref<204800x128xf32, #tpu.memory_space<hbm>> -> memref<128x128xf32, #tpu.memory_space<hbm>>
    %dma_wait3A_249 = arith.constant 0 : i32
    %dma_wait3A_250 = tpu.memref_slice %arg4[%add3A_246, %dma_wait3A_249] : memref<204800x128xf32, #tpu.memory_space<hbm>> -> memref<128x128xf32, #tpu.memory_space<hbm>>
    tpu.wait_dma2 semaphore(%arg23 : memref<!tpu.dma_semaphore, #tpu.memory_space<semaphore_mem>>) src(%arg11 : memref<128x128xf32, #tpu.memory_space<vmem>>) dst(%dma_wait3A_250 : memref<128x128xf32, #tpu.memory_space<hbm>>)
    %add3A_251 = arith.constant 6144 : i32
    %add3A_252 = arith.addi %mul3A_2, %add3A_251 : i32
    %dma_wait3A_253 = arith.constant 0 : i32
    %dma_wait3A_254 = tpu.memref_slice %arg4[%add3A_252, %dma_wait3A_253] : memref<204800x128xf32, #tpu.memory_space<hbm>> -> memref<128x128xf32, #tpu.memory_space<hbm>>
    %dma_wait3A_255 = arith.constant 0 : i32
    %dma_wait3A_256 = tpu.memref_slice %arg4[%add3A_252, %dma_wait3A_255] : memref<204800x128xf32, #tpu.memory_space<hbm>> -> memref<128x128xf32, #tpu.memory_space<hbm>>
    tpu.wait_dma2 semaphore(%arg18 : memref<!tpu.dma_semaphore, #tpu.memory_space<semaphore_mem>>) src(%arg6 : memref<128x128xf32, #tpu.memory_space<vmem>>) dst(%dma_wait3A_256 : memref<128x128xf32, #tpu.memory_space<hbm>>)
    %add3A_257 = arith.constant 6272 : i32
    %add3A_258 = arith.addi %mul3A_2, %add3A_257 : i32
    %dma_wait3A_259 = arith.constant 0 : i32
    %dma_wait3A_260 = tpu.memref_slice %arg4[%add3A_258, %dma_wait3A_259] : memref<204800x128xf32, #tpu.memory_space<hbm>> -> memref<128x128xf32, #tpu.memory_space<hbm>>
    %dma_wait3A_261 = arith.constant 0 : i32
    %dma_wait3A_262 = tpu.memref_slice %arg4[%add3A_258, %dma_wait3A_261] : memref<204800x128xf32, #tpu.memory_space<hbm>> -> memref<128x128xf32, #tpu.memory_space<hbm>>
    tpu.wait_dma2 semaphore(%arg19 : memref<!tpu.dma_semaphore, #tpu.memory_space<semaphore_mem>>) src(%arg7 : memref<128x128xf32, #tpu.memory_space<vmem>>) dst(%dma_wait3A_262 : memref<128x128xf32, #tpu.memory_space<hbm>>)
    return
  }
}

</mosaic_0001>

<sc_bundles>
// kernel: kernel.3.cloned.1.call-start
scs
__scs_entry_jumppad:
0x0: {  	(pc) =	sbr.rel $0x88, $3  }
0x1: {  	(tag) =	ssettag $0x0;
	lr =	simm.s32 $0x1  }
0x2: {  	[smem:$0x3F9F] =	sst lr;
	_ =	strace $0xD0000000  }
0x3: {  	_ = 	snop  }
0x4: {  	_ = 	snop  }
0x5: {  	_ = 	snop  }
0x6: {  	_ = 	snop  }
0x7: {  	_ = 	snop  }
__scs_overlays_trampoline_lowered:
0x8: {  	[smem:$0x3FAE] =	sst s0  }
0x9: {  	[smem:$0x3FAF] =	sst s1  }
0xa: {  	[smem:$0x3FB0] =	sst s2  }
0xb: {  	[smem:$0x3FB1] =	sst s3  }
0xc: {  	[smem:$0x3FB2] =	sst s4  }
0xd: {  	[smem:$0x3FB3] =	sst s5  }
0xe: {  	[smem:$0x3FB4] =	sst s6  }
0xf: {  	[smem:$0x3FB5] =	sst s7  }
0x10: {  	[smem:$0x3FB6] =	sst s8  }
0x11: {  	[smem:$0x3FB7] =	sst s9;
	s0 =	simm.s32 @!p0 $0x0  }
0x12: {  	s1 =	sld [smem:$0x3F9D];
	s0 =	simm.s32 @p0 $0x1  }
0x13: {  	[smem:$0x3FB8] =	sst s0;
	s0 =	simm.s32 @!p1 $0x0  }
0x14: {  	s2 =	sld [smem:$0x3F9C];
	s0 =	simm.s32 @p1 $0x1  }
0x15: {  	[smem:$0x3FB9] =	sst s0;
	s0 =	simm.s32 @!p2 $0x0  }
0x16: {  	s3 =	sld [smem:$0x3FDB];
	s0 =	simm.s32 @p2 $0x1  }
0x17: {  	s4 =	simm.s32 $0x1BF5;
	[smem:$0x3FBB] =	sst s0  }
0x18: {  	s0 =	sld [smem:$0x3F9E];
	_ =	swait.ge [sflag:s4], $0x0  }
0x19: {  	s7 =	sld [smem:$0x3F9F]  }
0x1a: {  	s8 =	sadd.s32 $0xFFFFE003, lr  }
0x1b: {  	s9 =	sadd.s32 $0xFFFFFEF7, lr;
	s5 =	simm.s32 $0xFFFFFFFF;
	p2 =	slt.u32 s8, $0xFFFFF086  }
0x1c: {  	p1 =	slt.u32 s9, $0xF7A;
	s5 =	simm.s32 @!p2 $0x0  }
0x1d: {  	s5 =	simm.s32 @p1 $0x1;
	p0 =	seq.s32 s7, s2  }
0x1e: {  	s7 =	smul.u32 @!p0 $0xF7A, s2;
	p2 =	seq.s32 @!p0 s5, $0x0  }
0x1f: {  	s9 =	smul.u32 $0xF7A, s1;
	s8 =	simm.s32 @!p0 $0x1BF5;
	p2 =	por !p2, p0  }
0x20: {  	[sflag:s8] =	ssyncset.s32 @!p0 $0xFFFFF086;
	s6 =	sadd.s32 @!p0 s3, s7;
	s7 =	simm.s32 @!p0 $0x108  }
0x21: {  	s3 =	sadd.s32 s3, s9;
	s6 =	sadd.s32 @!p0 $0x88, s6;
	s7 =	simm.s32 @p2 $0x1082  }
0x22: {  	[simem:s7], [sflag:s8] =	dma.local @!p0 [hbm:s6], $0xF7A  }
0x23: {  	s9 =	sor.u32 $0xD0000000, s2;
	s6 =	simm.s32 $0x108;
	_ =	swait.ge @!p0 [sflag:s8], $0x0  }
0x24: {  	s3 =	sadd.s32 $0x88, s3;
	s6 =	simm.s32 @!p1 $0x1082;
	[sflag:s4] =	ssyncset.s32 $0xFFFFF086  }
0x25: {  	[simem:s6], [sflag:s4] =	dma.local [hbm:s3], $0xF7A  }
0x26: {  	[smem:$0x3F9F] =	sst s1;
	(tag) =	ssettag s2;
	_ =	strace s9  }
0x27: {  	s1 =	sld [smem:$0x3FAF]  }
0x28: {  	s2 =	sld [smem:$0x3FB0]  }
0x29: {  	s4 =	sld [smem:$0x3FB2]  }
0x2a: {  	p0 =	seq.s32 s5, $0x0;
	s5 =	sld [smem:$0x3FB3]  }
0x2b: {  	s6 =	sld [smem:$0x3FB4]  }
0x2c: {  	s7 =	sld [smem:$0x3FB5]  }
0x2d: {  	s3 =	simm.s32 $0x108;
	s8 =	sld [smem:$0x3FB6]  }
0x2e: {  	s3 =	simm.s32 @!p0 $0x1082;
	s9 =	sld [smem:$0x3FB7]  }
0x2f: {  	lr =	sadd.s32 s0, s3;
	s0 =	sld [smem:$0x3FAE]  }
0x30: {  	s3 =	sld [smem:$0x3FB1]  }
0x31: {  	[smem:$0x3FBA] =	sst s10  }
0x32: {  	s10 =	sld [smem:$0x3FB8];
	_ =	sdelay $0x3  }
0x33: {  	p0 =	seq.s32 s10, $0x1;
	s10 =	sld [smem:$0x3FBA];
	_ =	sdelay $0x3  }
0x34: {  	[smem:$0x3FBA] =	sst s10  }
0x35: {  	s10 =	sld [smem:$0x3FB9];
	_ =	sdelay $0x3  }
0x36: {  	p1 =	seq.s32 s10, $0x1;
	s10 =	sld [smem:$0x3FBA];
	_ =	sdelay $0x3  }
0x37: {  	[smem:$0x3FBA] =	sst s10  }
0x38: {  	s10 =	sld [smem:$0x3FBB]  }
0x39: {  	_ = 	snop;
	(pc) =	sbr.ind lr, $3  }
0x3a: {  	_ = 	snop  }
0x3b: {  	_ = 	snop  }
0x3c: {  	p2 =	seq.s32 s10, $0x1;
	s10 =	sld [smem:$0x3FBA]  }
0x3d: {  	_ =	shalt  }
0x3e: {  	_ =	shalt  }
0x3f: {  	_ =	shalt  }
0x40: {  	_ =	shalt  }
0x41: {  	_ =	shalt  }
0x42: {  	_ =	shalt  }
0x43: {  	_ =	shalt  }
0x44: {  	_ =	shalt  }
0x45: {  	_ =	shalt  }
0x46: {  	_ =	shalt  }
0x47: {  	_ =	shalt  }
0x48: {  	_ =	shalt  }
0x49: {  	_ =	shalt  }
0x4a: {  	_ =	shalt  }
0x4b: {  	_ =	shalt  }
0x4c: {  	_ =	shalt  }
0x4d: {  	_ =	shalt  }
0x4e: {  	_ =	shalt  }
0x4f: {  	_ =	shalt  }
0x50: {  	_ =	shalt  }
0x51: {  	_ =	shalt  }
0x52: {  	_ =	shalt  }
0x53: {  	_ =	shalt  }
0x54: {  	_ =	shalt  }
0x55: {  	_ =	shalt  }
0x56: {  	_ =	shalt  }
0x57: {  	_ =	shalt  }
0x58: {  	_ =	shalt  }
0x59: {  	_ =	shalt  }
0x5a: {  	_ =	shalt  }
0x5b: {  	_ =	shalt  }
0x5c: {  	_ =	shalt  }
0x5d: {  	_ =	shalt  }
0x5e: {  	_ =	shalt  }
0x5f: {  	_ =	shalt  }
0x60: {  	_ =	shalt  }
0x61: {  	_ =	shalt  }
0x62: {  	_ =	shalt  }
0x63: {  	_ =	shalt  }
0x64: {  	_ =	shalt  }
0x65: {  	_ =	shalt  }
0x66: {  	_ =	shalt  }
0x67: {  	_ =	shalt  }
0x68: {  	_ =	shalt  }
0x69: {  	_ =	shalt  }
0x6a: {  	_ =	shalt  }
0x6b: {  	_ =	shalt  }
0x6c: {  	_ =	shalt  }
0x6d: {  	_ =	shalt  }
0x6e: {  	_ =	shalt  }
0x6f: {  	_ =	shalt  }
0x70: {  	_ =	shalt  }
0x71: {  	_ =	shalt  }
0x72: {  	_ =	shalt  }
0x73: {  	_ =	shalt  }
0x74: {  	_ =	shalt  }
0x75: {  	_ =	shalt  }
0x76: {  	_ =	shalt  }
0x77: {  	_ =	shalt  }
0x78: {  	_ =	shalt  }
0x79: {  	_ =	shalt  }
0x7a: {  	_ =	shalt  }
0x7b: {  	_ =	shalt  }
0x7c: {  	_ =	shalt  }
0x7d: {  	_ =	shalt  }
0x7e: {  	_ =	shalt  }
0x7f: {  	_ =	shalt  }
0x80: {  	_ =	shalt  }
0x81: {  	_ =	shalt  }
0x82: {  	_ =	shalt  }
0x83: {  	_ =	shalt  }
0x84: {  	_ =	shalt  }
0x85: {  	_ =	shalt  }
0x86: {  	_ =	shalt  }
0x87: {  	_ =	shalt  }
.Lfunc_end0:
.L_simem_size_0:
called_computation_lowered:
.L_overlay_start_0:
0x88: {  	s2 =	sld [smem:$0x3FD9]  }
0x89: {  	s3 =	sld [smem:$0x3FFE];
	_ =	sdelay $0x1  }
0x8a: {  	s1 =	srdreg.scid  }
0x8b: {  	s0 =	sand.u32 $0x1, s1  }
0x8c: {  	s17 =	sshll.u32 s0, $0xA;
	s2 =	sadd.s32 s3, s2  }
0x8d: {  	s2 =	sadd.s32 s2, s17  }
0x8e: {  	[smem:$0x3FC6] =	sst s2  }
0x8f: {  	_ = 	snop  }
0x90: {  	s2 =	sld [smem:$0x3FC8]  }
0x91: {  	s18 =	sld [smem:$0x3FD0];
	(tm) =	ssettm $0x1  }
0x92: {  	s4 =	sld [smem:$0x3FFB];
	_ =	sdelay $0x3  }
0x93: {  	_ =	strace s4  }
0x94: {  	s4 =	sld [smem:$0x3FFC];
	_ =	sdelay $0x3  }
0x95: {  	_ =	strace s4  }
0x96: {  	s4 =	sld [smem:$0x3FFD];
	_ =	sdelay $0x3  }
0x97: {  	_ =	strace s4  }
0x98: {  	_ =	strace $0x8FFFFFFF  }
0x99: {  	s19 =	sld [smem:$0x3FDB];
	_ =	sdelay $0x1  }
0x9a: {  	s5 =	simm.s32 $_scs_section_size  }
0x9b: {  	s6 =	simm.s32 $_size__tile_overlayer_lowered;
	s7 =	simm.s32 $_tile_overlayer_lowered  }
0x9c: {  	s22 =	simm.s32 $0x1BFF;
	s21 =	sshll.u32 s7, $0x1;
	s4 =	sadd.s32 s5, s19  }
0x9d: {  	s8 =	simm.s32 $0x0;
	s20 =	sshll.u32 s6, $0x1;
	s6 =	sadd.s32 s21, s4  }
0x9e: {  	[timem:s8], [sflag:s22] =	dma.local [hbm:s6], s20  }
0x9f: {  	_ =	swait.ge [sflag:s22], s20  }
0xa0: {  	s5 =	ssub.s32 $0x0, s20;
	[sflag:s22] =	ssyncset.done $0x0  }
0xa1: {  	[sflag:s22] =	ssyncadd.s32 s5;
	_ =	sdelay $0x1  }
0xa2: {  	s23 =	simm.s32 $0x1B8B  }
0xa3: {  	_ =	swait.ge [sflag:s23], $0x1  }
0xa4: {  	[sflag:s23] =	ssyncset.done $0x0  }
0xa5: {  	s25 =	simm.s32 $0x1B8E;
	s24 =	sld [smem:$0x3FFE];
	[sflag:s23] =	ssyncadd.s32 $0xFFFFFFFF  }
0xa6: {  	s26 =	simm.s32 $execute0_lowered;
	[smem:$0x3FD2] =	sst s25  }
0xa7: {  	s6 =	sshll.u32 s26, $0x1;
	_ =	strace $0x80000046;
	[dreg:$0x1] =	wrdreg $0xFFFFFFFF  }
0xa8: {  	s28 =	simm.s32 $_size_execute0_lowered;
	s4 =	sadd.s32 s4, s6;
	[dreg:$0x0] =	wrdreg $0x0  }
0xa9: {  	s6 =	sshll.u32 s28, $0x1;
	[dreg:$0x2] =	wrdreg s4  }
0xaa: {  	[dreg:$0x3] =	wrdreg s6  }
0xab: {  	[dreg:$0x4] =	wrdreg $0xC0  }
0xac: {  	_ =	task [dreg:s8], $0x5FFFF  }
0xad: {  	[dreg:$0x1] =	wrdreg $0xFFFFFFFF  }
0xae: {  	[dreg:$0x0] =	wrdreg $0x60  }
0xaf: {  	[dreg:$0x2] =	wrdreg s24  }
0xb0: {  	[dreg:$0x3] =	wrdreg s2  }
0xb1: {  	[dreg:$0x4] =	wrdreg s18  }
0xb2: {  	[dreg:$0x5] =	wrdreg $0x9  }
0xb3: {  	_ =	task.clear_ibuf [dreg:s8], $0x6FFFF;
	_ =	strace $0x90000046  }
0xb4: {  	s29 =	simm.s32 $0x9;
	_ =	strace $0x80000048  }
0xb5: {  	_ =	swait.ge [sflag:s29], $0x1  }
0xb6: {  	[sflag:s29] =	ssyncadd.s32 $0xFFFFFFFF  }
0xb7: {  	_ =	strace $0x90000048  }
0xb8: {  	_ =	sfence  }
0xb9: {  	s30 =	sld [smem:$0x0];
	_ =	sdelay $0x2  }
0xba: {  	s31 =	sshll.u32 s1, $0xD;
	s1 =	sshrl.u32 s1, $0x2  }
0xbb: {  	s3 =	sand.u32 $0x4000, s31;
	s1 =	sadd.s32 s1, s30  }
0xbc: {  	s0 =	sor.u32 s3, s0;
	s1 =	sshll.u32 s1, $0x11  }
0xbd: {  	s0 =	sor.u32 s1, s0  }
0xbe: {  	s0 =	sadd.s32 $0x8F2B, s0  }
0xbf: {  	[sflag:s0] =	ssyncadd.remote.s32 $0x1  }
0xc0: {  	_ =	sfence.sel $0xFFFF  }
0xc1: {  	[dreg:$0x0] =	wrdreg $0xFFFFFFFF;
	(pc) =	sbr.abs _section_cstart, $3  }
0xc2: {  	[dreg:$0x1] =	wrdreg $0xFFFFFFFF  }
0xc3: {  	_ =	task.clear_ibuf [dreg:s8], $0x2FFFF;
	_ =	strace $0x9FFFFFFF  }
0xc4: {  	(tm) =	ssettm $0x7FFFFFFF  }
0xc5: {  	_ =	shalt  }
tec
execute0_lowered:
.L_overlay_start_1:
0x0: {  	(tag) =	ssettag $0x1  }
0x1: {  	s0 =	rddreg [dreg:$0x0]  }
0x2: {  	s2 =	rddreg [dreg:$0x1]  }
0x3: {  	s1 =	srdreg.scid;
	s9 =	stileid.u32  }
0x4: {  	s4 =	rddreg [dreg:$0x2];
	s3 =	simm.s32 $0x0;
	s15 =	simm.s32 $0xD  }
0x5: {  	s16 =	simm.s32 $0x80;
	s17 =	simm.s32 $0x1C00;
	s28 =	simm.s32 $0x3  }
0x6: {  	s1 =	sand.u32 $0x1, s1;
	s5 =	sshll.u32 s9, $0x1;
	s21 =	smul.u32 $0x32000, s9  }
0x7: {  	s5 =	sor.u32 s1, s5;
	s7 =	ssub.s32 $0x2, s1;
	s1 =	smul.u32 $0x19000, s1  }
0x8: {  	s30 =	simm.s32 $0x15C00;
	s31 =	simm.s32 $0x4;
	s6 =	smul.u32 $0x380, s5  }
0x9: {  	s29 =	simm.s32 $0x6;
	[smem:$0x7FF] =	sst s3;
	s8 =	smul.u32 $0xC8000, s5  }
0xa: {  	_ =	strace $0x80000047;
	s18 =	sshrl.u32 s7, $0x1;
	s5 =	smul.u32 $0x19000, s5  }
0xb: {  	s0 =	sadd.s32 s6, s0;
	s6 =	ssub.s32 s7, s18;
	s19 =	sshrl.u32 s8, $0x3  }
0xc: {  	s20 =	sadd.s32 s4, s5;
	s18 =	simm.s32 $0x5C00;
	s0 =	sadd.s32 $0x400, s0  }
0xd: {  	[dreg:$0x5] =	wrdreg s20;
	s7 =	sadd.s32 $0x800, s20;
	s13 =	smax.u32 s6, $0x1  }
0xe: {  	s20 =	simm.s32 $0x9C00;
	s6 =	simm.s32 $0xC;
	[dreg:$0x4] =	wrdreg s0  }
0xf: {  	s0 =	sadd.s32 s4, s19;
	[dreg:$0x6] =	wrdreg s7;
	s4 =	sadd.s32 s21, s4  }
0x10: {  	s21 =	simm.s32 $0x1;
	s19 =	simm.s32 $0x5;
	s22 =	sadd.s32 $0x1000, s0  }
0x11: {  	s7 =	simm.s32 $0x0;
	s23 =	sadd.s32 $0x1800, s0;
	[dreg:$0x7] =	wrdreg s22  }
0x12: {  	s24 =	sadd.s32 $0x2000, s0;
	s25 =	sadd.s32 $0x2800, s0;
	[dreg:$0x8] =	wrdreg s23  }
0x13: {  	s26 =	sadd.s32 $0x18000, s0;
	s1 =	sadd.s32 s1, s4;
	[dreg:$0x9] =	wrdreg s24  }
0x14: {  	s12 =	sadd.s32 $0x18800, s0;
	s0 =	simm.s32 $0x9;
	[dreg:$0xa] =	wrdreg s25  }
0x15: {  	s4 =	simm.s32 $0xB;
	[dreg:$0xb] =	wrdreg s26;
	s10 =	sadd.s32 $0x5800, s1  }
0x16: {  	s23 =	simm.s32 $0xDC00;
	s24 =	simm.s32 $0x2;
	s26 =	simm.s32 $0x11C00  }
0x17: {  	s1 =	simm.s32 $0x7;
	s22 =	simm.s32 $0x8;
	s25 =	simm.s32 $0xA  }
.LBB2_1:
0x18: {  	s5 =	rddreg [dreg:$0x4]  }
0x19: {  	[tilespmem:s3], [sflag:$0xD] =	stream.linear.gather [hbm4b:s5+s3], $0x1900, $0x38;
	[tilespmem:$0x19C00] =	vst v63  }
0x1a: {  	_ =	swait.ge [sflag:s15], $0x1900  }
0x1b: {  	[sflag:s15] =	ssyncset.done $0x0  }
0x1c: {  	[sflag:s15] =	ssyncadd.s32 $0xFFFFE700  }
0x1d: {  	[tilespmem:s17], [sflag:$0x1] =	stream.indirect.gather [hbm4b:s2+s16], $0x80, s3, s16, $0xb8;
	[tilespmem:$0x19C00] =	vst v63  }
0x1e: {  	_ = 	snop  }
0x1f: {  	[tilespmem:s18], [sflag:$0x2] =	stream.indirect.gather [hbm4b:s2+s16], $0x80, s16, s16, $0xb8;
	[tilespmem:$0x19C00] =	vst v63  }
0x20: {  	s9 =	simm.s32 $0x100  }
0x21: {  	[tilespmem:s20], [sflag:$0x3] =	stream.indirect.gather [hbm4b:s2+s16], $0x80, s9, s16, $0xb8;
	[tilespmem:$0x19C00] =	vst v63  }
0x22: {  	_ =	swait.ge [sflag:s21], $0x4000  }
0x23: {  	[sflag:s21] =	ssyncset.done $0x0  }
0x24: {  	s11 =	rddreg [dreg:$0x5];
	[sflag:s21] =	ssyncadd.s32 $0xFFFFC000  }
0x25: {  	[hbm4b:s11+s3] =	stream.linear.scatter [tilespmem:s17], [sflag:$0x7], $0x4000, $0x38;
	[tilespmem:$0x19C00] =	vst v63  }
0x26: {  	s14 =	simm.s32 $0x180  }
0x27: {  	[tilespmem:s23], [sflag:$0x4] =	stream.indirect.gather [hbm4b:s2+s16], $0x80, s14, s16, $0xb8;
	[tilespmem:$0x19C00] =	vst v63  }
0x28: {  	_ =	swait.ge [sflag:s24], $0x4000  }
0x29: {  	[sflag:s24] =	ssyncset.done $0x0  }
0x2a: {  	s8 =	rddreg [dreg:$0x6];
	[sflag:s24] =	ssyncadd.s32 $0xFFFFC000  }
0x2b: {  	[hbm4b:s8+s3] =	stream.linear.scatter [tilespmem:s18], [sflag:$0x8], $0x4000, $0x38;
	[tilespmem:$0x19C00] =	vst v63  }
0x2c: {  	s9 =	simm.s32 $0x200  }
0x2d: {  	[tilespmem:s26], [sflag:$0x5] =	stream.indirect.gather [hbm4b:s2+s16], $0x80, s9, s16, $0xb8;
	[tilespmem:$0x19C00] =	vst v63  }
0x2e: {  	_ =	swait.ge [sflag:s28], $0x4000  }
0x2f: {  	[sflag:s28] =	ssyncset.done $0x0  }
0x30: {  	s11 =	rddreg [dreg:$0x7];
	[sflag:s28] =	ssyncadd.s32 $0xFFFFC000  }
0x31: {  	[hbm4b:s11+s3] =	stream.linear.scatter [tilespmem:s20], [sflag:$0x9], $0x4000, $0x38;
	[tilespmem:$0x19C00] =	vst v63  }
0x32: {  	s14 =	simm.s32 $0x280  }
0x33: {  	[tilespmem:s30], [sflag:$0x6] =	stream.indirect.gather [hbm4b:s2+s16], $0x80, s14, s16, $0xb8;
	[tilespmem:$0x19C00] =	vst v63  }
0x34: {  	_ =	swait.ge [sflag:s31], $0x4000  }
0x35: {  	[sflag:s31] =	ssyncset.done $0x0  }
0x36: {  	s8 =	rddreg [dreg:$0x8];
	[sflag:s31] =	ssyncadd.s32 $0xFFFFC000  }
0x37: {  	[hbm4b:s8+s3] =	stream.linear.scatter [tilespmem:s23], [sflag:$0xA], $0x4000, $0x38;
	[tilespmem:$0x19C00] =	vst v63  }
0x38: {  	_ =	swait.ge [sflag:s1], $0x4000  }
0x39: {  	[sflag:s1] =	ssyncset.done $0x0  }
0x3a: {  	s9 =	simm.s32 $0x300;
	[sflag:s1] =	ssyncadd.s32 $0xFFFFC000  }
0x3b: {  	[tilespmem:s17], [sflag:$0x1] =	stream.indirect.gather [hbm4b:s2+s16], $0x80, s9, s16, $0xb8;
	[tilespmem:$0x19C00] =	vst v63  }
0x3c: {  	_ =	swait.ge [sflag:s19], $0x4000  }
0x3d: {  	[sflag:s19] =	ssyncset.done $0x0  }
0x3e: {  	s11 =	rddreg [dreg:$0x9];
	[sflag:s19] =	ssyncadd.s32 $0xFFFFC000  }
0x3f: {  	[hbm4b:s11+s3] =	stream.linear.scatter [tilespmem:s26], [sflag:$0xB], $0x4000, $0x38;
	[tilespmem:$0x19C00] =	vst v63  }
0x40: {  	_ =	swait.ge [sflag:s22], $0x4000  }
0x41: {  	[sflag:s22] =	ssyncset.done $0x0  }
0x42: {  	s14 =	simm.s32 $0x380;
	[sflag:s22] =	ssyncadd.s32 $0xFFFFC000  }
0x43: {  	[tilespmem:s18], [sflag:$0x2] =	stream.indirect.gather [hbm4b:s2+s16], $0x80, s14, s16, $0xb8;
	[tilespmem:$0x19C00] =	vst v63  }
0x44: {  	_ =	swait.ge [sflag:s29], $0x4000  }
0x45: {  	[sflag:s29] =	ssyncset.done $0x0  }
0x46: {  	s8 =	rddreg [dreg:$0xa];
	[sflag:s29] =	ssyncadd.s32 $0xFFFFC000  }
0x47: {  	[hbm4b:s8+s3] =	stream.linear.scatter [tilespmem:s30], [sflag:$0xC], $0x4000, $0x38;
	[tilespmem:$0x19C00] =	vst v63  }
0x48: {  	_ =	swait.ge [sflag:s0], $0x4000  }
0x49: {  	[sflag:s0] =	ssyncset.done $0x0  }
0x4a: {  	s9 =	simm.s32 $0x400;
	[sflag:s0] =	ssyncadd.s32 $0xFFFFC000  }
0x4b: {  	[tilespmem:s20], [sflag:$0x3] =	stream.indirect.gather [hbm4b:s2+s16], $0x80, s9, s16, $0xb8;
	[tilespmem:$0x19C00] =	vst v63  }
0x4c: {  	_ =	swait.ge [sflag:s21], $0x4000  }
0x4d: {  	[sflag:s21] =	ssyncset.done $0x0  }
0x4e: {  	s11 =	sadd.s32 $0xFFFFD800, s10;
	[sflag:s21] =	ssyncadd.s32 $0xFFFFC000  }
0x4f: {  	[hbm4b:s11+s3] =	stream.linear.scatter [tilespmem:s17], [sflag:$0x7], $0x4000, $0x38;
	[tilespmem:$0x19C00] =	vst v63  }
0x50: {  	_ =	swait.ge [sflag:s25], $0x4000  }
0x51: {  	[sflag:s25] =	ssyncset.done $0x0  }
0x52: {  	s14 =	simm.s32 $0x480;
	[sflag:s25] =	ssyncadd.s32 $0xFFFFC000  }
0x53: {  	[tilespmem:s23], [sflag:$0x4] =	stream.indirect.gather [hbm4b:s2+s16], $0x80, s14, s16, $0xb8;
	[tilespmem:$0x19C00] =	vst v63  }
0x54: {  	_ =	swait.ge [sflag:s24], $0x4000  }
0x55: {  	[sflag:s24] =	ssyncset.done $0x0  }
0x56: {  	s8 =	sadd.s32 $0xFFFFE000, s10;
	[sflag:s24] =	ssyncadd.s32 $0xFFFFC000  }
0x57: {  	[hbm4b:s8+s3] =	stream.linear.scatter [tilespmem:s18], [sflag:$0x8], $0x4000, $0x38;
	[tilespmem:$0x19C00] =	vst v63  }
0x58: {  	_ =	swait.ge [sflag:s4], $0x4000  }
0x59: {  	[sflag:s4] =	ssyncset.done $0x0  }
0x5a: {  	s9 =	simm.s32 $0x500;
	[sflag:s4] =	ssyncadd.s32 $0xFFFFC000  }
0x5b: {  	[tilespmem:s26], [sflag:$0x5] =	stream.indirect.gather [hbm4b:s2+s16], $0x80, s9, s16, $0xb8;
	[tilespmem:$0x19C00] =	vst v63  }
0x5c: {  	_ =	swait.ge [sflag:s28], $0x4000  }
0x5d: {  	[sflag:s28] =	ssyncset.done $0x0  }
0x5e: {  	s11 =	sadd.s32 $0xFFFFE800, s10;
	[sflag:s28] =	ssyncadd.s32 $0xFFFFC000  }
0x5f: {  	[hbm4b:s11+s3] =	stream.linear.scatter [tilespmem:s20], [sflag:$0x9], $0x4000, $0x38;
	[tilespmem:$0x19C00] =	vst v63  }
0x60: {  	_ =	swait.ge [sflag:s6], $0x4000  }
0x61: {  	[sflag:s6] =	ssyncset.done $0x0  }
0x62: {  	s14 =	simm.s32 $0x580;
	[sflag:s6] =	ssyncadd.s32 $0xFFFFC000  }
0x63: {  	[tilespmem:s30], [sflag:$0x6] =	stream.indirect.gather [hbm4b:s2+s16], $0x80, s14, s16, $0xb8;
	[tilespmem:$0x19C00] =	vst v63  }
0x64: {  	_ =	swait.ge [sflag:s31], $0x4000  }
0x65: {  	[sflag:s31] =	ssyncset.done $0x0  }
0x66: {  	s8 =	sadd.s32 $0xFFFFF000, s10;
	[sflag:s31] =	ssyncadd.s32 $0xFFFFC000  }
0x67: {  	[hbm4b:s8+s3] =	stream.linear.scatter [tilespmem:s23], [sflag:$0xA], $0x4000, $0x38;
	[tilespmem:$0x19C00] =	vst v63  }
0x68: {  	_ =	swait.ge [sflag:s1], $0x4000  }
0x69: {  	[sflag:s1] =	ssyncset.done $0x0  }
0x6a: {  	s9 =	simm.s32 $0x600;
	[sflag:s1] =	ssyncadd.s32 $0xFFFFC000  }
0x6b: {  	[tilespmem:s17], [sflag:$0x1] =	stream.indirect.gather [hbm4b:s2+s16], $0x80, s9, s16, $0xb8;
	[tilespmem:$0x19C00] =	vst v63  }
0x6c: {  	_ =	swait.ge [sflag:s19], $0x4000  }
0x6d: {  	[sflag:s19] =	ssyncset.done $0x0  }
0x6e: {  	s11 =	sadd.s32 $0xFFFFF800, s10;
	[sflag:s19] =	ssyncadd.s32 $0xFFFFC000  }
0x6f: {  	[hbm4b:s11+s3] =	stream.linear.scatter [tilespmem:s26], [sflag:$0xB], $0x4000, $0x38;
	[tilespmem:$0x19C00] =	vst v63  }
0x70: {  	_ =	swait.ge [sflag:s22], $0x4000  }
0x71: {  	[sflag:s22] =	ssyncset.done $0x0  }
0x72: {  	s14 =	simm.s32 $0x680;
	[sflag:s22] =	ssyncadd.s32 $0xFFFFC000  }
0x73: {  	[tilespmem:s18], [sflag:$0x2] =	stream.indirect.gather [hbm4b:s2+s16], $0x80, s14, s16, $0xb8;
	[tilespmem:$0x19C00] =	vst v63  }
0x74: {  	_ =	swait.ge [sflag:s29], $0x4000  }
0x75: {  	s8 =	simm.s32 $0xC00;
	[sflag:s29] =	ssyncset.done $0x0  }
0x76: {  	s9 =	sadd.s32 $0x3000, s10;
	s14 =	smov.u32 s10;
	[sflag:s29] =	ssyncadd.s32 $0xFFFFC000  }
.LBB2_2:
0x77: {  	[hbm4b:s14+s3] =	stream.linear.scatter [tilespmem:s30], [sflag:$0xC], $0x4000, $0x38;
	[tilespmem:$0x19C00] =	vst v63  }
0x78: {  	s5 =	smov.u32 s8;
	s14 =	smov.u32 s9  }
0x79: {  	p0 =	sne.s32 s8, $0x4800;
	s8 =	sadd.s32 $0xC00, s8;
	_ =	swait.ge [sflag:s0], $0x4000  }
0x7a: {  	s5 =	sshra.s32 s5, $0x2;
	[sflag:s0] =	ssyncset.done $0x0  }
0x7b: {  	s11 =	sadd.s32 $0x400, s5;
	[sflag:s0] =	ssyncadd.s32 $0xFFFFC000  }
0x7c: {  	[tilespmem:s20], [sflag:$0x3] =	stream.indirect.gather [hbm4b:s2+s16], $0x80, s11, s16, $0xb8;
	[tilespmem:$0x19C00] =	vst v63  }
0x7d: {  	_ =	swait.ge [sflag:s21], $0x4000  }
0x7e: {  	[sflag:s21] =	ssyncset.done $0x0  }
0x7f: {  	s11 =	sadd.s32 $0xFFFFD800, s9;
	[sflag:s21] =	ssyncadd.s32 $0xFFFFC000  }
0x80: {  	[hbm4b:s11+s3] =	stream.linear.scatter [tilespmem:s17], [sflag:$0x7], $0x4000, $0x38;
	[tilespmem:$0x19C00] =	vst v63  }
0x81: {  	_ =	swait.ge [sflag:s25], $0x4000  }
0x82: {  	[sflag:s25] =	ssyncset.done $0x0  }
0x83: {  	s11 =	sadd.s32 $0x480, s5;
	[sflag:s25] =	ssyncadd.s32 $0xFFFFC000  }
0x84: {  	[tilespmem:s23], [sflag:$0x4] =	stream.indirect.gather [hbm4b:s2+s16], $0x80, s11, s16, $0xb8;
	[tilespmem:$0x19C00] =	vst v63  }
0x85: {  	_ =	swait.ge [sflag:s24], $0x4000  }
0x86: {  	[sflag:s24] =	ssyncset.done $0x0  }
0x87: {  	s11 =	sadd.s32 $0xFFFFE000, s9;
	[sflag:s24] =	ssyncadd.s32 $0xFFFFC000  }
0x88: {  	[hbm4b:s11+s3] =	stream.linear.scatter [tilespmem:s18], [sflag:$0x8], $0x4000, $0x38;
	[tilespmem:$0x19C00] =	vst v63  }
0x89: {  	_ =	swait.ge [sflag:s4], $0x4000  }
0x8a: {  	[sflag:s4] =	ssyncset.done $0x0  }
0x8b: {  	s11 =	sadd.s32 $0x500, s5;
	[sflag:s4] =	ssyncadd.s32 $0xFFFFC000  }
0x8c: {  	[tilespmem:s26], [sflag:$0x5] =	stream.indirect.gather [hbm4b:s2+s16], $0x80, s11, s16, $0xb8;
	[tilespmem:$0x19C00] =	vst v63  }
0x8d: {  	_ =	swait.ge [sflag:s28], $0x4000  }
0x8e: {  	[sflag:s28] =	ssyncset.done $0x0  }
0x8f: {  	s11 =	sadd.s32 $0xFFFFE800, s9;
	[sflag:s28] =	ssyncadd.s32 $0xFFFFC000  }
0x90: {  	[hbm4b:s11+s3] =	stream.linear.scatter [tilespmem:s20], [sflag:$0x9], $0x4000, $0x38;
	[tilespmem:$0x19C00] =	vst v63  }
0x91: {  	_ =	swait.ge [sflag:s6], $0x4000  }
0x92: {  	[sflag:s6] =	ssyncset.done $0x0  }
0x93: {  	s11 =	sadd.s32 $0x580, s5;
	[sflag:s6] =	ssyncadd.s32 $0xFFFFC000  }
0x94: {  	[tilespmem:s30], [sflag:$0x6] =	stream.indirect.gather [hbm4b:s2+s16], $0x80, s11, s16, $0xb8;
	[tilespmem:$0x19C00] =	vst v63  }
0x95: {  	_ =	swait.ge [sflag:s31], $0x4000  }
0x96: {  	[sflag:s31] =	ssyncset.done $0x0  }
0x97: {  	s11 =	sadd.s32 $0xFFFFF000, s9;
	[sflag:s31] =	ssyncadd.s32 $0xFFFFC000  }
0x98: {  	[hbm4b:s11+s3] =	stream.linear.scatter [tilespmem:s23], [sflag:$0xA], $0x4000, $0x38;
	[tilespmem:$0x19C00] =	vst v63  }
0x99: {  	_ =	swait.ge [sflag:s1], $0x4000  }
0x9a: {  	[sflag:s1] =	ssyncset.done $0x0  }
0x9b: {  	s11 =	sadd.s32 $0x600, s5;
	[sflag:s1] =	ssyncadd.s32 $0xFFFFC000  }
0x9c: {  	[tilespmem:s17], [sflag:$0x1] =	stream.indirect.gather [hbm4b:s2+s16], $0x80, s11, s16, $0xb8;
	[tilespmem:$0x19C00] =	vst v63  }
0x9d: {  	_ =	swait.ge [sflag:s19], $0x4000  }
0x9e: {  	[sflag:s19] =	ssyncset.done $0x0  }
0x9f: {  	s11 =	sadd.s32 $0xFFFFF800, s9;
	[sflag:s19] =	ssyncadd.s32 $0xFFFFC000  }
0xa0: {  	[hbm4b:s11+s3] =	stream.linear.scatter [tilespmem:s26], [sflag:$0xB], $0x4000, $0x38;
	[tilespmem:$0x19C00] =	vst v63  }
0xa1: {  	_ =	swait.ge [sflag:s22], $0x4000  }
0xa2: {  	[sflag:s22] =	ssyncset.done $0x0  }
.Ltmp0:
0xa3: {  	s5 =	sadd.s32 $0x680, s5;
	[sflag:s22] =	ssyncadd.s32 $0xFFFFC000;
	(pc) =	sbr.rel @p0 .LBB2_2-.Ltmp0, $4  }
0xa4: {  	[tilespmem:s18], [sflag:$0x2] =	stream.indirect.gather [hbm4b:s2+s16], $0x80, s5, s16, $0xb8;
	[tilespmem:$0x19C00] =	vst v63  }
0xa5: {  	_ =	swait.ge [sflag:s29], $0x4000  }
0xa6: {  	[sflag:s29] =	ssyncset.done $0x0  }
0xa7: {  	s9 =	sadd.s32 $0x3000, s9;
	[sflag:s29] =	ssyncadd.s32 $0xFFFFC000  }
0xa8: {  	[hbm4b:s14+s3] =	stream.linear.scatter [tilespmem:s30], [sflag:$0xC], $0x4000, $0x38;
	[tilespmem:$0x19C00] =	vst v63  }
0xa9: {  	_ =	swait.ge [sflag:s21], $0x4000  }
0xaa: {  	[sflag:s21] =	ssyncset.done $0x0  }
0xab: {  	s5 =	rddreg [dreg:$0xb];
	[sflag:s21] =	ssyncadd.s32 $0xFFFFC000  }
0xac: {  	[hbm4b:s5+s3] =	stream.linear.scatter [tilespmem:s17], [sflag:$0x7], $0x4000, $0x38;
	[tilespmem:$0x19C00] =	vst v63  }
0xad: {  	_ =	swait.ge [sflag:s24], $0x4000  }
0xae: {  	[sflag:s24] =	ssyncset.done $0x0  }
0xaf: {  	[sflag:s24] =	ssyncadd.s32 $0xFFFFC000  }
0xb0: {  	[hbm4b:s12+s3] =	stream.linear.scatter [tilespmem:s18], [sflag:$0x8], $0x4000, $0x38;
	[tilespmem:$0x19C00] =	vst v63  }
0xb1: {  	_ =	swait.ge [sflag:s0], $0x4000  }
0xb2: {  	[sflag:s0] =	ssyncset.done $0x0  }
0xb3: {  	[sflag:s0] =	ssyncadd.s32 $0xFFFFC000  }
0xb4: {  	_ =	swait.ge [sflag:s25], $0x4000  }
0xb5: {  	[sflag:s25] =	ssyncset.done $0x0  }
0xb6: {  	[sflag:s25] =	ssyncadd.s32 $0xFFFFC000  }
0xb7: {  	_ =	swait.ge [sflag:s4], $0x4000  }
0xb8: {  	[sflag:s4] =	ssyncset.done $0x0  }
0xb9: {  	[sflag:s4] =	ssyncadd.s32 $0xFFFFC000  }
0xba: {  	_ =	swait.ge [sflag:s6], $0x4000  }
0xbb: {  	[sflag:s6] =	ssyncset.done $0x0  }
0xbc: {  	s7 =	sadd.s32 $0x1, s7;
	[sflag:s6] =	ssyncadd.s32 $0xFFFFC000  }
0xbd: {  	p0 =	sne.s32 s7, s13;
	_ =	swait.ge [sflag:s1], $0x4000  }
.Ltmp1:
0xbe: {  	[sflag:s1] =	ssyncset.done $0x0;
	(pc) =	sbr.rel @p0 .LBB2_1-.Ltmp1, $4  }
0xbf: {  	[sflag:s1] =	ssyncadd.s32 $0xFFFFC000  }
0xc0: {  	_ =	swait.ge [sflag:s22], $0x4000  }
0xc1: {  	[sflag:s22] =	ssyncset.done $0x0  }
0xc2: {  	[sflag:s22] =	ssyncadd.s32 $0xFFFFC000  }
0xc3: {  	_ =	sfence.sel $0x180000  }
0xc4: {  	[bflag:$0x0] =	sbarrier.arrive $0xFFFF  }
0xc5: {  	_ =	strace $0x90000047  }
0xc6: {  	s0 =	stileid.u32;
	[bflag:$0x2] =	sbarrier.arrive $0xFFFF  }
0xc7: {  	p0 =	sne.s32 s0, $0x0;
	s0 =	rddreg [dreg:$0x3]  }
0xc8: {  	s0 =	sadd.s32 @!p0 $0x100000, s0  }
0xc9: {  	[sflag:s0] =	ssyncadd.tile.s32 @!p0 $0x1;
	_ =	shalt  }
.Lfunc_end2:
_tile_overlayer_lowered:
.L_overlay_start_2:
0xca: {  	(tag) =	ssettag $0x2  }
0xcb: {  	s0 =	rddreg [dreg:$0x0];
	s2 =	stileid.u32  }
0xcc: {  	s1 =	rddreg [dreg:$0x1];
	p0 =	sne.s32 s2, $0x0  }
0xcd: {  	s3 =	rddreg [dreg:$0x2];
	[bflag:$0x3] =	sbarrier.arrive $0xFFFF;
	s2 =	simm.s32 @!p0 $0x1C0D  }
0xce: {  	[timem:s3], [sflag:s2] =	dma.local @!p0 [hbm:s0], s1  }
0xcf: {  	s0 =	simm.s32 @!p0 $0xD  }
0xd0: {  	_ =	swait.ge @!p0 [sflag:s0], s1  }
0xd1: {  	s1 =	ssub.s32 @!p0 $0x0, s1;
	[sflag:s0] =	ssyncset.done @!p0 $0x0  }
0xd2: {  	[sflag:s0] =	ssyncadd.s32 @!p0 s1  }
0xd3: {  	[bflag:$0x3] =	sbarrier.arrive $0xFFFF  }
0xd4: {  	_ =	shalt  }

</sc_bundles>
